<compile_context>
chip_gen: v7x
topology: tpu7x:2x2x1
jax: 0.10.2.dev20260603
libtpu: 0.0.44.dev20260713+nightly
codegen_flags: <defaults>
</compile_context>

<pallas_src>
import functools

import jax
import jax.numpy as jnp
from jax import lax
from jax.experimental import pallas as pl
from jax.experimental.pallas import tpu as pltpu
from jax.experimental.pallas import tpu_sc as plsc

N = 10000
D = 128
E = 320000
NC, NS = 2, 16
NW = NC * NS
CH = 128

E_PAD = 327680
EPW = E_PAD // NW
G_ROWS = 2 * E_PAD
GPW = G_ROWS // NW
GCH = GPW // CH
SCH = EPW // CH
N_PAD = 10240
NPS = N_PAD // NS

def _mesh():
    return plsc.VectorSubcoreMesh(
        core_axis_name="c", subcore_axis_name="s",
        num_cores=NC, num_subcores=NS)


def _softplus(v):
    return jnp.logaddexp(v, 0.0)


def _tables_body(x_ref, w_ref, b_ref, out_ref):
    out_ref[0] = jnp.dot(x_ref[...], w_ref[0],
                         preferred_element_type=jnp.float32) + b_ref[0]


def _build_tables(xf, w_stack, b_stack):
    blk = 1000
    return pl.pallas_call(
        _tables_body,
        grid=(2, N // blk),
        in_specs=[
            pl.BlockSpec((blk, D), lambda j, i: (i, 0)),
            pl.BlockSpec((1, D, D), lambda j, i: (j, 0, 0)),
            pl.BlockSpec((1, 1, D), lambda j, i: (j, 0, 0)),
        ],
        out_specs=pl.BlockSpec((1, blk, D), lambda j, i: (j, i, 0)),
        out_shape=jax.ShapeDtypeStruct((2, N, D), jnp.float32),
    )(xf, w_stack, b_stack)


def _gather_body(tbl_hbm, gidx_hbm, out_hbm, idx_v, buf0, buf1, sem0, sem1):
    c = lax.axis_index("c")
    s = lax.axis_index("s")
    wid = s * NC + c
    base = wid * GPW
    pltpu.sync_copy(gidx_hbm.at[wid], idx_v)
    bufs = (buf0, buf1)
    sems = (sem0, sem1)
    pltpu.async_copy(tbl_hbm.at[idx_v.at[0]], bufs[0], sems[0])

    @pl.loop(0, GCH, step=2)
    def _(j):
        for t in range(2):
            jj = j + t

            @pl.when(jj + 1 < GCH)
            def _():
                pltpu.async_copy(tbl_hbm.at[idx_v.at[jj + 1]],
                                 bufs[1 - t], sems[1 - t])

            pltpu.make_async_copy(tbl_hbm.at[idx_v.at[jj]],
                                  bufs[t], sems[t]).wait()
            pltpu.sync_copy(bufs[t], out_hbm.at[pl.ds(base + jj * CH, CH)])


@functools.cache
def _gather_k():
    return pl.kernel(
        _gather_body,
        out_type=jax.ShapeDtypeStruct((G_ROWS, D), jnp.float32),
        mesh=_mesh(),
        scratch_types=[
            pltpu.VMEM((GCH, CH), jnp.int32),
            pltpu.VMEM((CH, D), jnp.float32),
            pltpu.VMEM((CH, D), jnp.float32),
            pltpu.SemaphoreType.DMA,
            pltpu.SemaphoreType.DMA,
        ],
    )


def _edge_body(a_ref, b_ref, w_ref, bias_ref, out_ref):
    h = _softplus(a_ref[...] + b_ref[...])
    m = jnp.dot(h, w_ref[...], preferred_element_type=jnp.float32)
    out_ref[...] = _softplus(m + bias_ref[...])


def _edge_mlp(gout, We2, be2r):
    blk = 2048
    nblk = E_PAD // blk
    return pl.pallas_call(
        _edge_body,
        grid=(nblk,),
        in_specs=[
            pl.BlockSpec((blk, D), lambda j: (j, 0)),
            pl.BlockSpec((blk, D), lambda j: (j + nblk, 0)),
            pl.BlockSpec((D, D), lambda j: (0, 0)),
            pl.BlockSpec((1, D), lambda j: (0, 0)),
        ],
        out_specs=pl.BlockSpec((blk, D), lambda j: (j, 0)),
        out_shape=jax.ShapeDtypeStruct((E_PAD, D), jnp.float32),
    )(gout, gout, We2, be2r)


def _scatter_body(m2_hbm, ridx_hbm, zeros_hbm, out_hbm,
                  idx_v, buf0, buf1, acc, sem0, sem1):
    c = lax.axis_index("c")
    s = lax.axis_index("s")
    wid = s * NC + c
    base = wid * EPW
    pltpu.sync_copy(zeros_hbm.at[pl.ds(s * NPS, NPS)],
                    acc.at[pl.ds(s * NPS, NPS)])
    pltpu.sync_copy(ridx_hbm.at[wid], idx_v)
    plsc.subcore_barrier()
    bufs = (buf0, buf1)
    sems = (sem0, sem1)
    pltpu.async_copy(m2_hbm.at[pl.ds(base, CH)], bufs[0], sems[0])

    @pl.loop(0, SCH, step=2)
    def _(j):
        for t in range(2):
            jj = j + t

            @pl.when(jj + 1 < SCH)
            def _():
                pltpu.async_copy(m2_hbm.at[pl.ds(base + (jj + 1) * CH, CH)],
                                 bufs[1 - t], sems[1 - t])

            pltpu.make_async_copy(m2_hbm.at[pl.ds(base + jj * CH, CH)],
                                  bufs[t], sems[t]).wait()
            pltpu.sync_copy(bufs[t], acc.at[idx_v.at[jj]], add=True)

    plsc.subcore_barrier()
    pltpu.sync_copy(acc.at[pl.ds(s * NPS, NPS)],
                    out_hbm.at[c, pl.ds(s * NPS, NPS)])


@functools.cache
def _scatter_k():
    return pl.kernel(
        _scatter_body,
        out_type=jax.ShapeDtypeStruct((NC, N_PAD, D), jnp.float32),
        mesh=_mesh(),
        scratch_types=[
            pltpu.VMEM((SCH, CH), jnp.int32),
            pltpu.VMEM((CH, D), jnp.float32),
            pltpu.VMEM((CH, D), jnp.float32),
            pltpu.VMEM_SHARED((N_PAD, D), jnp.float32),
            pltpu.SemaphoreType.DMA,
            pltpu.SemaphoreType.DMA,
        ],
    )


def _node_body(x_ref, p0_ref, p1_ref, w1x_ref, w1a_ref, b1_ref,
               w2_ref, b2_ref, w3_ref, b3_ref, out_ref):
    agg = p0_ref[0] + p1_ref[0]
    h = _softplus(jnp.dot(x_ref[...], w1x_ref[...],
                          preferred_element_type=jnp.float32)
                  + jnp.dot(agg, w1a_ref[...],
                            preferred_element_type=jnp.float32)
                  + b1_ref[...])
    h = _softplus(jnp.dot(h, w2_ref[...],
                          preferred_element_type=jnp.float32) + b2_ref[...])
    out_ref[...] = jnp.dot(h, w3_ref[...],
                           preferred_element_type=jnp.float32) + b3_ref[...]


def _node_mlp(xf, partials, Wn1x, Wn1a, bn1r, Wn2, bn2r, Wn3, bn3r):
    blk = 1000
    full = lambda j: (0, 0)
    return pl.pallas_call(
        _node_body,
        grid=(N // blk,),
        in_specs=[
            pl.BlockSpec((blk, D), lambda j: (j, 0)),
            pl.BlockSpec((1, blk, D), lambda j: (0, j, 0)),
            pl.BlockSpec((1, blk, D), lambda j: (1, j, 0)),
            pl.BlockSpec((D, D), full),
            pl.BlockSpec((D, D), full),
            pl.BlockSpec((1, D), full),
            pl.BlockSpec((D, D), full),
            pl.BlockSpec((1, D), full),
            pl.BlockSpec((D, D), full),
            pl.BlockSpec((1, D), full),
        ],
        out_specs=pl.BlockSpec((blk, D), lambda j: (j, 0)),
        out_shape=jax.ShapeDtypeStruct((N, D), jnp.float32),
    )(xf, partials, partials, Wn1x, Wn1a, bn1r, Wn2, bn2r, Wn3, bn3r)


def kernel(x, edge_idx, We1, be1, We2, be2, Wn1, bn1, Wn2, bn2, Wn3, bn3):
    batch = x.shape[0]
    xf = x.reshape(batch * N, D)

    row = edge_idx[0].astype(jnp.int32)
    col = edge_idx[1].astype(jnp.int32)

    arow = jnp.zeros((E_PAD,), jnp.int32).at[:E].set(row)
    bcol = jnp.full((E_PAD,), N, jnp.int32).at[:E].set(col + N)
    g_idx = jnp.concatenate([arow, bcol]).reshape(NW, GCH, CH)
    row_sc = jnp.full((E_PAD,), N, jnp.int32).at[:E].set(row)
    row_sc = row_sc.reshape(NW, SCH, CH)

    w_stack = jnp.stack([We1[:D], We1[D:]])
    b_stack = jnp.stack([be1.reshape(1, D),
                         jnp.zeros((1, D), jnp.float32)])

    tables = _build_tables(xf, w_stack, b_stack)
    gout = _gather_k()(tables.reshape(2 * N, D), g_idx)
    m2 = _edge_mlp(gout, We2, be2.reshape(1, D))
    zeros = jnp.zeros((N_PAD, D), jnp.float32)
    partials = _scatter_k()(m2, row_sc, zeros)
    h = _node_mlp(xf, partials, Wn1[:D], Wn1[D:], bn1.reshape(1, D),
                  Wn2, bn2.reshape(1, D), Wn3, bn3.reshape(1, D))
    return h.reshape(batch, N, D)

# --- scband reference (transcript-rebuilt; emitter-appended) ---
"""Pipeline reference for scband-single-mpnn-18124761989527 (READ-ONLY COPY).

The authoritative reference and input builder live on the scoring server;
editing this copy changes nothing except your own understanding.
"""

import jax, jax.numpy as jnp
import numpy as np

DIM_IN = 128
DIM_HID = 128
DIM_OUT = 128
N_NODES = 10000
N_EDGES = 320000
BATCH = 1


def _linear_init(key, fan_in, fan_out):
    kw, kb = jax.random.split(key)
    bound = 1.0 / np.sqrt(fan_in)
    W = jax.random.uniform(kw, (fan_in, fan_out), minval=-bound, maxval=bound, dtype=jnp.float32)
    b = jax.random.uniform(kb, (fan_out,), minval=-bound, maxval=bound, dtype=jnp.float32)
    return W, b


def setup_inputs(seed: int = 0) -> dict:
    key = jax.random.key(seed)
    ks = jax.random.split(key, 8)
    x = jax.random.normal(ks[0], (BATCH, N_NODES, DIM_IN), dtype=jnp.float32)
    edge_idx = jax.random.randint(ks[1], (2, N_EDGES), 0, BATCH * N_NODES, dtype=jnp.int64)
    # edge MLP: Linear(2*dim_in, dim_hid), softplus, Linear(dim_hid, dim_hid), softplus
    We1, be1 = _linear_init(ks[2], 2 * DIM_IN, DIM_HID)
    We2, be2 = _linear_init(ks[3], DIM_HID, DIM_HID)
    # node MLP: Linear(dim_in + dim_hid, dim_hid), softplus, Linear(dim_hid, dim_hid), softplus, Linear(dim_hid, dim_out)
    Wn1, bn1 = _linear_init(ks[4], DIM_IN + DIM_HID, DIM_HID)
    Wn2, bn2 = _linear_init(ks[5], DIM_HID, DIM_HID)
    Wn3, bn3 = _linear_init(ks[6], DIM_HID, DIM_OUT)
    return {"x": x, "edge_idx": edge_idx,
            "We1": We1, "be1": be1, "We2": We2, "be2": be2,
            "Wn1": Wn1, "bn1": bn1, "Wn2": Wn2, "bn2": bn2,
            "Wn3": Wn3, "bn3": bn3}


def reference(x, edge_idx, We1, be1, We2, be2, Wn1, bn1, Wn2, bn2, Wn3, bn3):
    batch_size, n, _ = x.shape
    xf = x.reshape(batch_size * n, -1)
    row = edge_idx[0]
    col = edge_idx[1]
    # edge_model (phi)
    m = jnp.concatenate([jnp.take(xf, row, axis=0), jnp.take(xf, col, axis=0)], axis=-1)
    m = jax.nn.softplus(m @ We1 + be1)
    m = jax.nn.softplus(m @ We2 + be2)
    # node_model (psi): unsorted_segment_sum over source index (row)
    agg = jax.ops.segment_sum(m, row, num_segments=batch_size * n)
    h = jnp.concatenate([xf, agg], axis=-1)
    h = jax.nn.softplus(h @ Wn1 + bn1)
    h = jax.nn.softplus(h @ Wn2 + bn2)
    h = h @ Wn3 + bn3
    return h.reshape(batch_size, n, -1)

if __name__ == "__main__":
    import jax
    _d = setup_inputs()
    print(jax.jit(kernel)(*tuple(_d.values())))

</pallas_src>

<mosaic_0001>
#map = affine_map<(d0, d1) -> (0, 0)>
#map1 = affine_map<(d0, d1) -> (0, 0, 0)>
module attributes {stable_mosaic.version = 14 : i64} {
  func.func @_scatter_body(%arg0: i32, %arg1: i32, %arg2: memref<327680x128xf32, #tpu.memory_space<hbm>>, %arg3: memref<32x80x128xi32, #tpu.memory_space<hbm>>, %arg4: memref<10240x128xf32, #tpu.memory_space<hbm>>, %arg5: memref<2x10240x128xf32, #tpu.memory_space<hbm>>, %arg6: memref<80x128xi32, #tpu.memory_space<vmem>>, %arg7: memref<128x128xf32, #tpu.memory_space<vmem>>, %arg8: memref<128x128xf32, #tpu.memory_space<vmem>>, %arg9: memref<10240x128xf32, #tpu.memory_space<vmem_shared>>, %arg10: memref<!tpu.dma_semaphore, #tpu.memory_space<semaphore_mem>>, %arg11: memref<!tpu.dma_semaphore, #tpu.memory_space<semaphore_mem>>) attributes {dimension_semantics = [#tpu.dimension_semantics<core_parallel>, #tpu.dimension_semantics<subcore_parallel>], iteration_bounds = array<i64: 2, 16>, scalar_prefetch = 0 : i64, scratch_operands = 6 : i64, tpu.core_type = #tpu.core_type<sc_vector_subcore>, window_params = [{transform_indices = #map}, {transform_indices = #map1}, {transform_indices = #map}, {transform_indices = #map1}]} {
    %mul3A = arith.constant 2 : i32
    %mul3A_0 = arith.muli %arg1, %mul3A : i32
    %add3A = arith.addi %mul3A_0, %arg0 : i32
    %mul3A_1 = arith.constant 10240 : i32
    %mul3A_2 = arith.muli %add3A, %mul3A_1 : i32
    %mul3A_3 = arith.constant 640 : i32
    %mul3A_4 = arith.muli %arg1, %mul3A_3 : i32
    %mul3A_5 = arith.constant 640 : i32
    %mul3A_6 = arith.muli %arg1, %mul3A_5 : i32
    "tpu.region"() ({
      %run_scoped3A = tpu.sem_alloc : memref<!tpu.dma_semaphore, #tpu.memory_space<semaphore_mem>>
      %dma_start3A_19 = arith.constant 0 : i32
      %dma_start3A_20 = tpu.memref_slice %arg9[%mul3A_6, %dma_start3A_19] : memref<10240x128xf32, #tpu.memory_space<vmem_shared>> -> memref<640x128xf32, #tpu.memory_space<vmem_shared>>
      %dma_start3A_21 = arith.constant 0 : i32
      %dma_start3A_22 = tpu.memref_slice %arg4[%mul3A_4, %dma_start3A_21] : memref<10240x128xf32, #tpu.memory_space<hbm>> -> memref<640x128xf32, #tpu.memory_space<hbm>>
      tpu.enqueue_dma source(%dma_start3A_22 : memref<640x128xf32, #tpu.memory_space<hbm>>) target(%dma_start3A_20 : memref<640x128xf32, #tpu.memory_space<vmem_shared>>) target_semaphore(%run_scoped3A : memref<!tpu.dma_semaphore, #tpu.memory_space<semaphore_mem>>)
      %dma_wait3A = arith.constant 0 : i32
      %dma_wait3A_23 = tpu.memref_slice %arg9[%mul3A_6, %dma_wait3A] : memref<10240x128xf32, #tpu.memory_space<vmem_shared>> -> memref<640x128xf32, #tpu.memory_space<vmem_shared>>
      %dma_wait3A_24 = arith.constant 0 : i32
      %dma_wait3A_25 = tpu.memref_slice %arg4[%mul3A_4, %dma_wait3A_24] : memref<10240x128xf32, #tpu.memory_space<hbm>> -> memref<640x128xf32, #tpu.memory_space<hbm>>
      tpu.wait_dma2 semaphore(%run_scoped3A : memref<!tpu.dma_semaphore, #tpu.memory_space<semaphore_mem>>) src(%dma_wait3A_25 : memref<640x128xf32, #tpu.memory_space<hbm>>) dst(%dma_wait3A_23 : memref<640x128xf32, #tpu.memory_space<vmem_shared>>)
      tpu.yield
    }) : () -> ()
    "tpu.region"() ({
      %run_scoped3A = tpu.sem_alloc : memref<!tpu.dma_semaphore, #tpu.memory_space<semaphore_mem>>
      %dma_start3A_19 = arith.constant 0 : i32
      %dma_start3A_20 = arith.constant 0 : i32
      %dma_start3A_21 = tpu.memref_slice %arg3[%add3A, %dma_start3A_19, %dma_start3A_20] : memref<32x80x128xi32, #tpu.memory_space<hbm>> -> memref<1x80x128xi32, #tpu.memory_space<hbm>>
      %dma_start3A_22 = tpu.memref_squeeze %dma_start3A_21 : memref<1x80x128xi32, #tpu.memory_space<hbm>> -> memref<80x128xi32, #tpu.memory_space<hbm>>
      %dma_start3A_23 = arith.constant 0 : i32
      %dma_start3A_24 = arith.constant 0 : i32
      %dma_start3A_25 = tpu.memref_slice %arg3[%add3A, %dma_start3A_23, %dma_start3A_24] : memref<32x80x128xi32, #tpu.memory_space<hbm>> -> memref<1x80x128xi32, #tpu.memory_space<hbm>>
      %dma_start3A_26 = tpu.memref_squeeze %dma_start3A_25 : memref<1x80x128xi32, #tpu.memory_space<hbm>> -> memref<80x128xi32, #tpu.memory_space<hbm>>
      tpu.enqueue_dma source(%dma_start3A_26 : memref<80x128xi32, #tpu.memory_space<hbm>>) target(%arg6 : memref<80x128xi32, #tpu.memory_space<vmem>>) target_semaphore(%run_scoped3A : memref<!tpu.dma_semaphore, #tpu.memory_space<semaphore_mem>>)
      %dma_wait3A = arith.constant 0 : i32
      %dma_wait3A_27 = arith.constant 0 : i32
      %dma_wait3A_28 = tpu.memref_slice %arg3[%add3A, %dma_wait3A, %dma_wait3A_27] : memref<32x80x128xi32, #tpu.memory_space<hbm>> -> memref<1x80x128xi32, #tpu.memory_space<hbm>>
      %dma_wait3A_29 = tpu.memref_squeeze %dma_wait3A_28 : memref<1x80x128xi32, #tpu.memory_space<hbm>> -> memref<80x128xi32, #tpu.memory_space<hbm>>
      %dma_wait3A_30 = arith.constant 0 : i32
      %dma_wait3A_31 = arith.constant 0 : i32
      %dma_wait3A_32 = tpu.memref_slice %arg3[%add3A, %dma_wait3A_30, %dma_wait3A_31] : memref<32x80x128xi32, #tpu.memory_space<hbm>> -> memref<1x80x128xi32, #tpu.memory_space<hbm>>
      %dma_wait3A_33 = tpu.memref_squeeze %dma_wait3A_32 : memref<1x80x128xi32, #tpu.memory_space<hbm>> -> memref<80x128xi32, #tpu.memory_space<hbm>>
      tpu.wait_dma2 semaphore(%run_scoped3A : memref<!tpu.dma_semaphore, #tpu.memory_space<semaphore_mem>>) src(%dma_wait3A_33 : memref<80x128xi32, #tpu.memory_space<hbm>>) dst(%arg6 : memref<80x128xi32, #tpu.memory_space<vmem>>)
      tpu.yield
    }) : () -> ()
    %barrier3A = arith.constant 0 : index
    tpu.barrier barrier_id(%barrier3A)
    %dma_start3A = arith.constant 0 : i32
    %dma_start3A_7 = tpu.memref_slice %arg2[%mul3A_2, %dma_start3A] : memref<327680x128xf32, #tpu.memory_space<hbm>> -> memref<128x128xf32, #tpu.memory_space<hbm>>
    %dma_start3A_8 = arith.constant 0 : i32
    %dma_start3A_9 = tpu.memref_slice %arg2[%mul3A_2, %dma_start3A_8] : memref<327680x128xf32, #tpu.memory_space<hbm>> -> memref<128x128xf32, #tpu.memory_space<hbm>>
    tpu.enqueue_dma source(%dma_start3A_9 : memref<128x128xf32, #tpu.memory_space<hbm>>) target(%arg7 : memref<128x128xf32, #tpu.memory_space<vmem>>) target_semaphore(%arg10 : memref<!tpu.dma_semaphore, #tpu.memory_space<semaphore_mem>>)
    %scan3A = arith.constant 0 : i32
    %scan3A_10 = arith.constant 40 : i32
    %scan3A_11 = arith.addi %scan3A, %scan3A_10 : i32
    %scan3A_12 = arith.constant 1 : i32
    scf.for %scan3A_19 = %scan3A to %scan3A_11 step %scan3A_12  : i32 {
      %mul3A_20 = arith.constant 2 : i32
      %mul3A_21 = arith.muli %scan3A_19, %mul3A_20 : i32
      %add3A_22 = arith.constant 0 : i32
      %add3A_23 = arith.addi %add3A_22, %mul3A_21 : i32
      %add3A_24 = arith.constant 0 : i32
      %add3A_25 = arith.addi %add3A_23, %add3A_24 : i32
      %add3A_26 = arith.constant 1 : i32
      %add3A_27 = arith.addi %add3A_25, %add3A_26 : i32
      %lt3A = arith.constant 80 : i32
      %lt3A_28 = arith.cmpi slt, %add3A_27, %lt3A : i32
      %convert_element_type3A = arith.extui %lt3A_28 : i1 to i32
      %cond3A = arith.constant 0 : i32
      %cond3A_29 = arith.cmpi ne, %convert_element_type3A, %cond3A : i32
      scf.if %cond3A_29 {
        %add3A_52 = arith.constant 1 : i32
        %add3A_53 = arith.addi %add3A_25, %add3A_52 : i32
        %mul3A_54 = arith.constant 128 : i32
        %mul3A_55 = arith.muli %add3A_53, %mul3A_54 : i32
        %add3A_56 = arith.addi %mul3A_2, %mul3A_55 : i32
        %dma_start3A_57 = arith.constant 0 : i32
        %dma_start3A_58 = tpu.memref_slice %arg2[%add3A_56, %dma_start3A_57] : memref<327680x128xf32, #tpu.memory_space<hbm>> -> memref<128x128xf32, #tpu.memory_space<hbm>>
        %dma_start3A_59 = arith.constant 0 : i32
        %dma_start3A_60 = tpu.memref_slice %arg2[%add3A_56, %dma_start3A_59] : memref<327680x128xf32, #tpu.memory_space<hbm>> -> memref<128x128xf32, #tpu.memory_space<hbm>>
        tpu.enqueue_dma source(%dma_start3A_60 : memref<128x128xf32, #tpu.memory_space<hbm>>) target(%arg8 : memref<128x128xf32, #tpu.memory_space<vmem>>) target_semaphore(%arg11 : memref<!tpu.dma_semaphore, #tpu.memory_space<semaphore_mem>>)
      } else {
      }
      %mul3A_30 = arith.constant 128 : i32
      %mul3A_31 = arith.muli %add3A_25, %mul3A_30 : i32
      %add3A_32 = arith.addi %mul3A_2, %mul3A_31 : i32
      %dma_wait3A = arith.constant 0 : i32
      %dma_wait3A_33 = tpu.memref_slice %arg2[%add3A_32, %dma_wait3A] : memref<327680x128xf32, #tpu.memory_space<hbm>> -> memref<128x128xf32, #tpu.memory_space<hbm>>
      %dma_wait3A_34 = arith.constant 0 : i32
      %dma_wait3A_35 = tpu.memref_slice %arg2[%add3A_32, %dma_wait3A_34] : memref<327680x128xf32, #tpu.memory_space<hbm>> -> memref<128x128xf32, #tpu.memory_space<hbm>>
      tpu.wait_dma2 semaphore(%arg10 : memref<!tpu.dma_semaphore, #tpu.memory_space<semaphore_mem>>) src(%dma_wait3A_35 : memref<128x128xf32, #tpu.memory_space<hbm>>) dst(%arg7 : memref<128x128xf32, #tpu.memory_space<vmem>>)
      "tpu.region"() ({
        %run_scoped3A = tpu.sem_alloc : memref<!tpu.dma_semaphore, #tpu.memory_space<semaphore_mem>>
        %dma_start3A_52 = arith.constant 0 : i32
        %dma_start3A_53 = tpu.memref_slice %arg6[%add3A_25, %dma_start3A_52] : memref<80x128xi32, #tpu.memory_space<vmem>> -> memref<1x128xi32, #tpu.memory_space<vmem>>
        %dma_start3A_54 = tpu.memref_squeeze %dma_start3A_53 : memref<1x128xi32, #tpu.memory_space<vmem>> -> memref<128xi32, #tpu.memory_space<vmem>>
        %dma_start3A_55 = arith.constant 0 : i32
        %dma_start3A_56 = arith.constant 0 : i32
        %dma_start3A_57 = tpu.memref_slice %arg9[%dma_start3A_55, %dma_start3A_56] : memref<10240x128xf32, #tpu.memory_space<vmem_shared>> -> memref<10240x128xf32, #tpu.memory_space<vmem_shared>>
        tpu.enqueue_indirect_dma source(%arg7 : memref<128x128xf32, #tpu.memory_space<vmem>>) target(%dma_start3A_57 : memref<10240x128xf32, #tpu.memory_space<vmem_shared>>) offsets(%dma_start3A_54 : memref<128xi32, #tpu.memory_space<vmem>>) semaphore(%run_scoped3A : memref<!tpu.dma_semaphore, #tpu.memory_space<semaphore_mem>>) {add = true}
        %dma_wait3A_58 = arith.constant 0 : i32
        %dma_wait3A_59 = tpu.memref_slice %arg6[%add3A_25, %dma_wait3A_58] : memref<80x128xi32, #tpu.memory_space<vmem>> -> memref<1x128xi32, #tpu.memory_space<vmem>>
        %dma_wait3A_60 = tpu.memref_squeeze %dma_wait3A_59 : memref<1x128xi32, #tpu.memory_space<vmem>> -> memref<128xi32, #tpu.memory_space<vmem>>
        %dma_wait3A_61 = arith.constant 0 : i32
        %dma_wait3A_62 = arith.constant 0 : i32
        %dma_wait3A_63 = tpu.memref_slice %arg9[%dma_wait3A_61, %dma_wait3A_62] : memref<10240x128xf32, #tpu.memory_space<vmem_shared>> -> memref<10240x128xf32, #tpu.memory_space<vmem_shared>>
        tpu.wait_indirect_dma semaphore(%run_scoped3A : memref<!tpu.dma_semaphore, #tpu.memory_space<semaphore_mem>>) src(%arg7 : memref<128x128xf32, #tpu.memory_space<vmem>>) dst(%dma_wait3A_63 : memref<10240x128xf32, #tpu.memory_space<vmem_shared>>)
        tpu.yield
      }) : () -> ()
      %add3A_36 = arith.constant 1 : i32
      %add3A_37 = arith.addi %add3A_23, %add3A_36 : i32
      %add3A_38 = arith.constant 1 : i32
      %add3A_39 = arith.addi %add3A_37, %add3A_38 : i32
      %lt3A_40 = arith.constant 80 : i32
      %lt3A_41 = arith.cmpi slt, %add3A_39, %lt3A_40 : i32
      %convert_element_type3A_42 = arith.extui %lt3A_41 : i1 to i32
      %cond3A_43 = arith.constant 0 : i32
      %cond3A_44 = arith.cmpi ne, %convert_element_type3A_42, %cond3A_43 : i32
      scf.if %cond3A_44 {
        %add3A_52 = arith.constant 1 : i32
        %add3A_53 = arith.addi %add3A_37, %add3A_52 : i32
        %mul3A_54 = arith.constant 128 : i32
        %mul3A_55 = arith.muli %add3A_53, %mul3A_54 : i32
        %add3A_56 = arith.addi %mul3A_2, %mul3A_55 : i32
        %dma_start3A_57 = arith.constant 0 : i32
        %dma_start3A_58 = tpu.memref_slice %arg2[%add3A_56, %dma_start3A_57] : memref<327680x128xf32, #tpu.memory_space<hbm>> -> memref<128x128xf32, #tpu.memory_space<hbm>>
        %dma_start3A_59 = arith.constant 0 : i32
        %dma_start3A_60 = tpu.memref_slice %arg2[%add3A_56, %dma_start3A_59] : memref<327680x128xf32, #tpu.memory_space<hbm>> -> memref<128x128xf32, #tpu.memory_space<hbm>>
        tpu.enqueue_dma source(%dma_start3A_60 : memref<128x128xf32, #tpu.memory_space<hbm>>) target(%arg7 : memref<128x128xf32, #tpu.memory_space<vmem>>) target_semaphore(%arg10 : memref<!tpu.dma_semaphore, #tpu.memory_space<semaphore_mem>>)
      } else {
      }
      %mul3A_45 = arith.constant 128 : i32
      %mul3A_46 = arith.muli %add3A_37, %mul3A_45 : i32
      %add3A_47 = arith.addi %mul3A_2, %mul3A_46 : i32
      %dma_wait3A_48 = arith.constant 0 : i32
      %dma_wait3A_49 = tpu.memref_slice %arg2[%add3A_47, %dma_wait3A_48] : memref<327680x128xf32, #tpu.memory_space<hbm>> -> memref<128x128xf32, #tpu.memory_space<hbm>>
      %dma_wait3A_50 = arith.constant 0 : i32
      %dma_wait3A_51 = tpu.memref_slice %arg2[%add3A_47, %dma_wait3A_50] : memref<327680x128xf32, #tpu.memory_space<hbm>> -> memref<128x128xf32, #tpu.memory_space<hbm>>
      tpu.wait_dma2 semaphore(%arg11 : memref<!tpu.dma_semaphore, #tpu.memory_space<semaphore_mem>>) src(%dma_wait3A_51 : memref<128x128xf32, #tpu.memory_space<hbm>>) dst(%arg8 : memref<128x128xf32, #tpu.memory_space<vmem>>)
      "tpu.region"() ({
        %run_scoped3A = tpu.sem_alloc : memref<!tpu.dma_semaphore, #tpu.memory_space<semaphore_mem>>
        %dma_start3A_52 = arith.constant 0 : i32
        %dma_start3A_53 = tpu.memref_slice %arg6[%add3A_37, %dma_start3A_52] : memref<80x128xi32, #tpu.memory_space<vmem>> -> memref<1x128xi32, #tpu.memory_space<vmem>>
        %dma_start3A_54 = tpu.memref_squeeze %dma_start3A_53 : memref<1x128xi32, #tpu.memory_space<vmem>> -> memref<128xi32, #tpu.memory_space<vmem>>
        %dma_start3A_55 = arith.constant 0 : i32
        %dma_start3A_56 = arith.constant 0 : i32
        %dma_start3A_57 = tpu.memref_slice %arg9[%dma_start3A_55, %dma_start3A_56] : memref<10240x128xf32, #tpu.memory_space<vmem_shared>> -> memref<10240x128xf32, #tpu.memory_space<vmem_shared>>
        tpu.enqueue_indirect_dma source(%arg8 : memref<128x128xf32, #tpu.memory_space<vmem>>) target(%dma_start3A_57 : memref<10240x128xf32, #tpu.memory_space<vmem_shared>>) offsets(%dma_start3A_54 : memref<128xi32, #tpu.memory_space<vmem>>) semaphore(%run_scoped3A : memref<!tpu.dma_semaphore, #tpu.memory_space<semaphore_mem>>) {add = true}
        %dma_wait3A_58 = arith.constant 0 : i32
        %dma_wait3A_59 = tpu.memref_slice %arg6[%add3A_37, %dma_wait3A_58] : memref<80x128xi32, #tpu.memory_space<vmem>> -> memref<1x128xi32, #tpu.memory_space<vmem>>
        %dma_wait3A_60 = tpu.memref_squeeze %dma_wait3A_59 : memref<1x128xi32, #tpu.memory_space<vmem>> -> memref<128xi32, #tpu.memory_space<vmem>>
        %dma_wait3A_61 = arith.constant 0 : i32
        %dma_wait3A_62 = arith.constant 0 : i32
        %dma_wait3A_63 = tpu.memref_slice %arg9[%dma_wait3A_61, %dma_wait3A_62] : memref<10240x128xf32, #tpu.memory_space<vmem_shared>> -> memref<10240x128xf32, #tpu.memory_space<vmem_shared>>
        tpu.wait_indirect_dma semaphore(%run_scoped3A : memref<!tpu.dma_semaphore, #tpu.memory_space<semaphore_mem>>) src(%arg8 : memref<128x128xf32, #tpu.memory_space<vmem>>) dst(%dma_wait3A_63 : memref<10240x128xf32, #tpu.memory_space<vmem_shared>>)
        tpu.yield
      }) : () -> ()
    }
    %scan3A_13 = arith.constant 40 : i32
    %barrier3A_14 = arith.constant 0 : index
    tpu.barrier barrier_id(%barrier3A_14)
    %mul3A_15 = arith.constant 640 : i32
    %mul3A_16 = arith.muli %arg1, %mul3A_15 : i32
    %mul3A_17 = arith.constant 640 : i32
    %mul3A_18 = arith.muli %arg1, %mul3A_17 : i32
    "tpu.region"() ({
      %run_scoped3A = tpu.sem_alloc : memref<!tpu.dma_semaphore, #tpu.memory_space<semaphore_mem>>
      %dma_start3A_19 = arith.constant 0 : i32
      %dma_start3A_20 = tpu.memref_slice %arg5[%arg0, %mul3A_18, %dma_start3A_19] : memref<2x10240x128xf32, #tpu.memory_space<hbm>> -> memref<1x640x128xf32, #tpu.memory_space<hbm>>
      %dma_start3A_21 = tpu.memref_squeeze %dma_start3A_20 : memref<1x640x128xf32, #tpu.memory_space<hbm>> -> memref<640x128xf32, #tpu.memory_space<hbm>>
      %dma_start3A_22 = arith.constant 0 : i32
      %dma_start3A_23 = tpu.memref_slice %arg9[%mul3A_16, %dma_start3A_22] : memref<10240x128xf32, #tpu.memory_space<vmem_shared>> -> memref<640x128xf32, #tpu.memory_space<vmem_shared>>
      tpu.enqueue_dma source(%dma_start3A_23 : memref<640x128xf32, #tpu.memory_space<vmem_shared>>) target(%dma_start3A_21 : memref<640x128xf32, #tpu.memory_space<hbm>>) target_semaphore(%run_scoped3A : memref<!tpu.dma_semaphore, #tpu.memory_space<semaphore_mem>>)
      %dma_wait3A = arith.constant 0 : i32
      %dma_wait3A_24 = tpu.memref_slice %arg5[%arg0, %mul3A_18, %dma_wait3A] : memref<2x10240x128xf32, #tpu.memory_space<hbm>> -> memref<1x640x128xf32, #tpu.memory_space<hbm>>
      %dma_wait3A_25 = tpu.memref_squeeze %dma_wait3A_24 : memref<1x640x128xf32, #tpu.memory_space<hbm>> -> memref<640x128xf32, #tpu.memory_space<hbm>>
      %dma_wait3A_26 = arith.constant 0 : i32
      %dma_wait3A_27 = tpu.memref_slice %arg9[%mul3A_16, %dma_wait3A_26] : memref<10240x128xf32, #tpu.memory_space<vmem_shared>> -> memref<640x128xf32, #tpu.memory_space<vmem_shared>>
      tpu.wait_dma2 semaphore(%run_scoped3A : memref<!tpu.dma_semaphore, #tpu.memory_space<semaphore_mem>>) src(%dma_wait3A_27 : memref<640x128xf32, #tpu.memory_space<vmem_shared>>) dst(%dma_wait3A_25 : memref<640x128xf32, #tpu.memory_space<hbm>>)
      tpu.yield
    }) : () -> ()
    return
  }
}

#map = affine_map<(d0, d1) -> (0, 0)>
#map1 = affine_map<(d0, d1) -> (0, 0, 0)>
module attributes {stable_mosaic.version = 14 : i64} {
  func.func @_gather_body(%arg0: i32, %arg1: i32, %arg2: memref<20000x128xf32, #tpu.memory_space<hbm>>, %arg3: memref<32x160x128xi32, #tpu.memory_space<hbm>>, %arg4: memref<655360x128xf32, #tpu.memory_space<hbm>>, %arg5: memref<160x128xi32, #tpu.memory_space<vmem>>, %arg6: memref<128x128xf32, #tpu.memory_space<vmem>>, %arg7: memref<128x128xf32, #tpu.memory_space<vmem>>, %arg8: memref<!tpu.dma_semaphore, #tpu.memory_space<semaphore_mem>>, %arg9: memref<!tpu.dma_semaphore, #tpu.memory_space<semaphore_mem>>) attributes {dimension_semantics = [#tpu.dimension_semantics<core_parallel>, #tpu.dimension_semantics<subcore_parallel>], iteration_bounds = array<i64: 2, 16>, scalar_prefetch = 0 : i64, scratch_operands = 5 : i64, tpu.core_type = #tpu.core_type<sc_vector_subcore>, window_params = [{transform_indices = #map}, {transform_indices = #map1}, {transform_indices = #map}]} {
    %mul3A = arith.constant 2 : i32
    %mul3A_0 = arith.muli %arg1, %mul3A : i32
    %add3A = arith.addi %mul3A_0, %arg0 : i32
    %mul3A_1 = arith.constant 20480 : i32
    %mul3A_2 = arith.muli %add3A, %mul3A_1 : i32
    "tpu.region"() ({
      %run_scoped3A = tpu.sem_alloc : memref<!tpu.dma_semaphore, #tpu.memory_space<semaphore_mem>>
      %dma_start3A_13 = arith.constant 0 : i32
      %dma_start3A_14 = arith.constant 0 : i32
      %dma_start3A_15 = tpu.memref_slice %arg3[%add3A, %dma_start3A_13, %dma_start3A_14] : memref<32x160x128xi32, #tpu.memory_space<hbm>> -> memref<1x160x128xi32, #tpu.memory_space<hbm>>
      %dma_start3A_16 = tpu.memref_squeeze %dma_start3A_15 : memref<1x160x128xi32, #tpu.memory_space<hbm>> -> memref<160x128xi32, #tpu.memory_space<hbm>>
      %dma_start3A_17 = arith.constant 0 : i32
      %dma_start3A_18 = arith.constant 0 : i32
      %dma_start3A_19 = tpu.memref_slice %arg3[%add3A, %dma_start3A_17, %dma_start3A_18] : memref<32x160x128xi32, #tpu.memory_space<hbm>> -> memref<1x160x128xi32, #tpu.memory_space<hbm>>
      %dma_start3A_20 = tpu.memref_squeeze %dma_start3A_19 : memref<1x160x128xi32, #tpu.memory_space<hbm>> -> memref<160x128xi32, #tpu.memory_space<hbm>>
      tpu.enqueue_dma source(%dma_start3A_20 : memref<160x128xi32, #tpu.memory_space<hbm>>) target(%arg5 : memref<160x128xi32, #tpu.memory_space<vmem>>) target_semaphore(%run_scoped3A : memref<!tpu.dma_semaphore, #tpu.memory_space<semaphore_mem>>)
      %dma_wait3A = arith.constant 0 : i32
      %dma_wait3A_21 = arith.constant 0 : i32
      %dma_wait3A_22 = tpu.memref_slice %arg3[%add3A, %dma_wait3A, %dma_wait3A_21] : memref<32x160x128xi32, #tpu.memory_space<hbm>> -> memref<1x160x128xi32, #tpu.memory_space<hbm>>
      %dma_wait3A_23 = tpu.memref_squeeze %dma_wait3A_22 : memref<1x160x128xi32, #tpu.memory_space<hbm>> -> memref<160x128xi32, #tpu.memory_space<hbm>>
      %dma_wait3A_24 = arith.constant 0 : i32
      %dma_wait3A_25 = arith.constant 0 : i32
      %dma_wait3A_26 = tpu.memref_slice %arg3[%add3A, %dma_wait3A_24, %dma_wait3A_25] : memref<32x160x128xi32, #tpu.memory_space<hbm>> -> memref<1x160x128xi32, #tpu.memory_space<hbm>>
      %dma_wait3A_27 = tpu.memref_squeeze %dma_wait3A_26 : memref<1x160x128xi32, #tpu.memory_space<hbm>> -> memref<160x128xi32, #tpu.memory_space<hbm>>
      tpu.wait_dma2 semaphore(%run_scoped3A : memref<!tpu.dma_semaphore, #tpu.memory_space<semaphore_mem>>) src(%dma_wait3A_27 : memref<160x128xi32, #tpu.memory_space<hbm>>) dst(%arg5 : memref<160x128xi32, #tpu.memory_space<vmem>>)
      tpu.yield
    }) : () -> ()
    %dma_start3A = arith.constant 0 : i32
    %dma_start3A_3 = arith.constant 0 : i32
    %dma_start3A_4 = tpu.memref_slice %arg5[%dma_start3A, %dma_start3A_3] : memref<160x128xi32, #tpu.memory_space<vmem>> -> memref<1x128xi32, #tpu.memory_space<vmem>>
    %dma_start3A_5 = tpu.memref_squeeze %dma_start3A_4 : memref<1x128xi32, #tpu.memory_space<vmem>> -> memref<128xi32, #tpu.memory_space<vmem>>
    %dma_start3A_6 = arith.constant 0 : i32
    %dma_start3A_7 = arith.constant 0 : i32
    %dma_start3A_8 = tpu.memref_slice %arg2[%dma_start3A_6, %dma_start3A_7] : memref<20000x128xf32, #tpu.memory_space<hbm>> -> memref<20000x128xf32, #tpu.memory_space<hbm>>
    tpu.enqueue_indirect_dma source(%dma_start3A_8 : memref<20000x128xf32, #tpu.memory_space<hbm>>) target(%arg6 : memref<128x128xf32, #tpu.memory_space<vmem>>) offsets(%dma_start3A_5 : memref<128xi32, #tpu.memory_space<vmem>>) semaphore(%arg8 : memref<!tpu.dma_semaphore, #tpu.memory_space<semaphore_mem>>)
    %scan3A = arith.constant 0 : i32
    %scan3A_9 = arith.constant 80 : i32
    %scan3A_10 = arith.addi %scan3A, %scan3A_9 : i32
    %scan3A_11 = arith.constant 1 : i32
    scf.for %scan3A_13 = %scan3A to %scan3A_10 step %scan3A_11  : i32 {
      %mul3A_14 = arith.constant 2 : i32
      %mul3A_15 = arith.muli %scan3A_13, %mul3A_14 : i32
      %add3A_16 = arith.constant 0 : i32
      %add3A_17 = arith.addi %add3A_16, %mul3A_15 : i32
      %add3A_18 = arith.constant 0 : i32
      %add3A_19 = arith.addi %add3A_17, %add3A_18 : i32
      %add3A_20 = arith.constant 1 : i32
      %add3A_21 = arith.addi %add3A_19, %add3A_20 : i32
      %lt3A = arith.constant 160 : i32
      %lt3A_22 = arith.cmpi slt, %add3A_21, %lt3A : i32
      %convert_element_type3A = arith.extui %lt3A_22 : i1 to i32
      %cond3A = arith.constant 0 : i32
      %cond3A_23 = arith.cmpi ne, %convert_element_type3A, %cond3A : i32
      scf.if %cond3A_23 {
        %add3A_50 = arith.constant 1 : i32
        %add3A_51 = arith.addi %add3A_19, %add3A_50 : i32
        %dma_start3A_52 = arith.constant 0 : i32
        %dma_start3A_53 = tpu.memref_slice %arg5[%add3A_51, %dma_start3A_52] : memref<160x128xi32, #tpu.memory_space<vmem>> -> memref<1x128xi32, #tpu.memory_space<vmem>>
        %dma_start3A_54 = tpu.memref_squeeze %dma_start3A_53 : memref<1x128xi32, #tpu.memory_space<vmem>> -> memref<128xi32, #tpu.memory_space<vmem>>
        %dma_start3A_55 = arith.constant 0 : i32
        %dma_start3A_56 = arith.constant 0 : i32
        %dma_start3A_57 = tpu.memref_slice %arg2[%dma_start3A_55, %dma_start3A_56] : memref<20000x128xf32, #tpu.memory_space<hbm>> -> memref<20000x128xf32, #tpu.memory_space<hbm>>
        tpu.enqueue_indirect_dma source(%dma_start3A_57 : memref<20000x128xf32, #tpu.memory_space<hbm>>) target(%arg7 : memref<128x128xf32, #tpu.memory_space<vmem>>) offsets(%dma_start3A_54 : memref<128xi32, #tpu.memory_space<vmem>>) semaphore(%arg9 : memref<!tpu.dma_semaphore, #tpu.memory_space<semaphore_mem>>)
      } else {
      }
      %dma_wait3A = arith.constant 0 : i32
      %dma_wait3A_24 = tpu.memref_slice %arg5[%add3A_19, %dma_wait3A] : memref<160x128xi32, #tpu.memory_space<vmem>> -> memref<1x128xi32, #tpu.memory_space<vmem>>
      %dma_wait3A_25 = tpu.memref_squeeze %dma_wait3A_24 : memref<1x128xi32, #tpu.memory_space<vmem>> -> memref<128xi32, #tpu.memory_space<vmem>>
      %dma_wait3A_26 = arith.constant 0 : i32
      %dma_wait3A_27 = arith.constant 0 : i32
      %dma_wait3A_28 = tpu.memref_slice %arg2[%dma_wait3A_26, %dma_wait3A_27] : memref<20000x128xf32, #tpu.memory_space<hbm>> -> memref<20000x128xf32, #tpu.memory_space<hbm>>
      tpu.wait_indirect_dma semaphore(%arg8 : memref<!tpu.dma_semaphore, #tpu.memory_space<semaphore_mem>>) src(%dma_wait3A_28 : memref<20000x128xf32, #tpu.memory_space<hbm>>) dst(%arg6 : memref<128x128xf32, #tpu.memory_space<vmem>>)
      %mul3A_29 = arith.constant 128 : i32
      %mul3A_30 = arith.muli %add3A_19, %mul3A_29 : i32
      %add3A_31 = arith.addi %mul3A_2, %mul3A_30 : i32
      "tpu.region"() ({
        %run_scoped3A = tpu.sem_alloc : memref<!tpu.dma_semaphore, #tpu.memory_space<semaphore_mem>>
        %dma_start3A_50 = arith.constant 0 : i32
        %dma_start3A_51 = tpu.memref_slice %arg4[%add3A_31, %dma_start3A_50] : memref<655360x128xf32, #tpu.memory_space<hbm>> -> memref<128x128xf32, #tpu.memory_space<hbm>>
        %dma_start3A_52 = arith.constant 0 : i32
        %dma_start3A_53 = tpu.memref_slice %arg4[%add3A_31, %dma_start3A_52] : memref<655360x128xf32, #tpu.memory_space<hbm>> -> memref<128x128xf32, #tpu.memory_space<hbm>>
        tpu.enqueue_dma source(%arg6 : memref<128x128xf32, #tpu.memory_space<vmem>>) target(%dma_start3A_53 : memref<128x128xf32, #tpu.memory_space<hbm>>) target_semaphore(%run_scoped3A : memref<!tpu.dma_semaphore, #tpu.memory_space<semaphore_mem>>)
        %dma_wait3A_54 = arith.constant 0 : i32
        %dma_wait3A_55 = tpu.memref_slice %arg4[%add3A_31, %dma_wait3A_54] : memref<655360x128xf32, #tpu.memory_space<hbm>> -> memref<128x128xf32, #tpu.memory_space<hbm>>
        %dma_wait3A_56 = arith.constant 0 : i32
        %dma_wait3A_57 = tpu.memref_slice %arg4[%add3A_31, %dma_wait3A_56] : memref<655360x128xf32, #tpu.memory_space<hbm>> -> memref<128x128xf32, #tpu.memory_space<hbm>>
        tpu.wait_dma2 semaphore(%run_scoped3A : memref<!tpu.dma_semaphore, #tpu.memory_space<semaphore_mem>>) src(%arg6 : memref<128x128xf32, #tpu.memory_space<vmem>>) dst(%dma_wait3A_57 : memref<128x128xf32, #tpu.memory_space<hbm>>)
        tpu.yield
      }) : () -> ()
      %add3A_32 = arith.constant 1 : i32
      %add3A_33 = arith.addi %add3A_17, %add3A_32 : i32
      %add3A_34 = arith.constant 1 : i32
      %add3A_35 = arith.addi %add3A_33, %add3A_34 : i32
      %lt3A_36 = arith.constant 160 : i32
      %lt3A_37 = arith.cmpi slt, %add3A_35, %lt3A_36 : i32
      %convert_element_type3A_38 = arith.extui %lt3A_37 : i1 to i32
      %cond3A_39 = arith.constant 0 : i32
      %cond3A_40 = arith.cmpi ne, %convert_element_type3A_38, %cond3A_39 : i32
      scf.if %cond3A_40 {
        %add3A_50 = arith.constant 1 : i32
        %add3A_51 = arith.addi %add3A_33, %add3A_50 : i32
        %dma_start3A_52 = arith.constant 0 : i32
        %dma_start3A_53 = tpu.memref_slice %arg5[%add3A_51, %dma_start3A_52] : memref<160x128xi32, #tpu.memory_space<vmem>> -> memref<1x128xi32, #tpu.memory_space<vmem>>
        %dma_start3A_54 = tpu.memref_squeeze %dma_start3A_53 : memref<1x128xi32, #tpu.memory_space<vmem>> -> memref<128xi32, #tpu.memory_space<vmem>>
        %dma_start3A_55 = arith.constant 0 : i32
        %dma_start3A_56 = arith.constant 0 : i32
        %dma_start3A_57 = tpu.memref_slice %arg2[%dma_start3A_55, %dma_start3A_56] : memref<20000x128xf32, #tpu.memory_space<hbm>> -> memref<20000x128xf32, #tpu.memory_space<hbm>>
        tpu.enqueue_indirect_dma source(%dma_start3A_57 : memref<20000x128xf32, #tpu.memory_space<hbm>>) target(%arg6 : memref<128x128xf32, #tpu.memory_space<vmem>>) offsets(%dma_start3A_54 : memref<128xi32, #tpu.memory_space<vmem>>) semaphore(%arg8 : memref<!tpu.dma_semaphore, #tpu.memory_space<semaphore_mem>>)
      } else {
      }
      %dma_wait3A_41 = arith.constant 0 : i32
      %dma_wait3A_42 = tpu.memref_slice %arg5[%add3A_33, %dma_wait3A_41] : memref<160x128xi32, #tpu.memory_space<vmem>> -> memref<1x128xi32, #tpu.memory_space<vmem>>
      %dma_wait3A_43 = tpu.memref_squeeze %dma_wait3A_42 : memref<1x128xi32, #tpu.memory_space<vmem>> -> memref<128xi32, #tpu.memory_space<vmem>>
      %dma_wait3A_44 = arith.constant 0 : i32
      %dma_wait3A_45 = arith.constant 0 : i32
      %dma_wait3A_46 = tpu.memref_slice %arg2[%dma_wait3A_44, %dma_wait3A_45] : memref<20000x128xf32, #tpu.memory_space<hbm>> -> memref<20000x128xf32, #tpu.memory_space<hbm>>
      tpu.wait_indirect_dma semaphore(%arg9 : memref<!tpu.dma_semaphore, #tpu.memory_space<semaphore_mem>>) src(%dma_wait3A_46 : memref<20000x128xf32, #tpu.memory_space<hbm>>) dst(%arg7 : memref<128x128xf32, #tpu.memory_space<vmem>>)
      %mul3A_47 = arith.constant 128 : i32
      %mul3A_48 = arith.muli %add3A_33, %mul3A_47 : i32
      %add3A_49 = arith.addi %mul3A_2, %mul3A_48 : i32
      "tpu.region"() ({
        %run_scoped3A = tpu.sem_alloc : memref<!tpu.dma_semaphore, #tpu.memory_space<semaphore_mem>>
        %dma_start3A_50 = arith.constant 0 : i32
        %dma_start3A_51 = tpu.memref_slice %arg4[%add3A_49, %dma_start3A_50] : memref<655360x128xf32, #tpu.memory_space<hbm>> -> memref<128x128xf32, #tpu.memory_space<hbm>>
        %dma_start3A_52 = arith.constant 0 : i32
        %dma_start3A_53 = tpu.memref_slice %arg4[%add3A_49, %dma_start3A_52] : memref<655360x128xf32, #tpu.memory_space<hbm>> -> memref<128x128xf32, #tpu.memory_space<hbm>>
        tpu.enqueue_dma source(%arg7 : memref<128x128xf32, #tpu.memory_space<vmem>>) target(%dma_start3A_53 : memref<128x128xf32, #tpu.memory_space<hbm>>) target_semaphore(%run_scoped3A : memref<!tpu.dma_semaphore, #tpu.memory_space<semaphore_mem>>)
        %dma_wait3A_54 = arith.constant 0 : i32
        %dma_wait3A_55 = tpu.memref_slice %arg4[%add3A_49, %dma_wait3A_54] : memref<655360x128xf32, #tpu.memory_space<hbm>> -> memref<128x128xf32, #tpu.memory_space<hbm>>
        %dma_wait3A_56 = arith.constant 0 : i32
        %dma_wait3A_57 = tpu.memref_slice %arg4[%add3A_49, %dma_wait3A_56] : memref<655360x128xf32, #tpu.memory_space<hbm>> -> memref<128x128xf32, #tpu.memory_space<hbm>>
        tpu.wait_dma2 semaphore(%run_scoped3A : memref<!tpu.dma_semaphore, #tpu.memory_space<semaphore_mem>>) src(%arg7 : memref<128x128xf32, #tpu.memory_space<vmem>>) dst(%dma_wait3A_57 : memref<128x128xf32, #tpu.memory_space<hbm>>)
        tpu.yield
      }) : () -> ()
    }
    %scan3A_12 = arith.constant 80 : i32
    return
  }
}

module attributes {stable_mosaic.version = 14 : i64} {
  func.func @_tables_body(%arg0: i32, %arg1: i32, %arg2: memref<1000x128xf32, #tpu.memory_space<vmem>>, %arg3: memref<1x128x128xf32, #tpu.memory_space<vmem>>, %arg4: memref<1x1x128xf32, #tpu.memory_space<vmem>>, %arg5: memref<1x1000x128xf32, #tpu.memory_space<vmem>>) attributes {dimension_semantics = [#tpu.dimension_semantics<arbitrary>, #tpu.dimension_semantics<arbitrary>], iteration_bounds = array<i64: 2, 10>, scalar_prefetch = 0 : i64, scratch_operands = 0 : i64, tpu.core_type = #tpu.core_type<tc>, window_params = [{transform_indices = @transform_0, window_bounds = array<i64: 1000, 128>}, {transform_indices = @transform_1, window_bounds = array<i64: 1, 128, 128>}, {transform_indices = @transform_2, window_bounds = array<i64: 1, 1, 128>}, {transform_indices = @transform_3, window_bounds = array<i64: 1, 1000, 128>}]} {
    %get3A = arith.constant 0 : index
    %get3A_0 = arith.constant 0 : index
    %get3A_1 = vector.load %arg2[%get3A, %get3A_0] : memref<1000x128xf32, #tpu.memory_space<vmem>>, vector<1000x128xf32>
    %get3A_2 = arith.constant 0 : index
    %get3A_3 = arith.constant 0 : index
    %get3A_4 = arith.constant 0 : index
    %get3A_5 = vector.load %arg3[%get3A_2, %get3A_3, %get3A_4] : memref<1x128x128xf32, #tpu.memory_space<vmem>>, vector<1x128x128xf32>
    %get3A_6 = vector.shape_cast %get3A_5 : vector<1x128x128xf32> to vector<128x128xf32>
    %dot_general3A = arith.constant dense<0.000000e+00> : vector<1000x128xf32>
    %dot_general3A_7 = tpu.matmul %get3A_1, %get3A_6, %dot_general3A {dimension_numbers = #tpu.dot_dimension_numbers<[1], [0], [0], [1], [0, 0, 1, 1], [], []>, transpose_lhs_hint = false} : vector<1000x128xf32>, vector<128x128xf32>, vector<1000x128xf32> -> vector<1000x128xf32>
    %get3A_8 = arith.constant 0 : index
    %get3A_9 = arith.constant 0 : index
    %get3A_10 = arith.constant 0 : index
    %get3A_11 = vector.load %arg4[%get3A_8, %get3A_9, %get3A_10] : memref<1x1x128xf32, #tpu.memory_space<vmem>>, vector<1x1x128xf32>
    %get3A_12 = vector.shape_cast %get3A_11 : vector<1x1x128xf32> to vector<1x128xf32>
    %add3A = vector.broadcast %get3A_12 : vector<1x128xf32> to vector<1000x128xf32>
    %add3A_13 = arith.addf %dot_general3A_7, %add3A : vector<1000x128xf32>
    %swap3A = arith.constant 0 : index
    %swap3A_14 = arith.constant 0 : index
    %swap3A_15 = arith.constant 0 : index
    %swap3A_16 = vector.load %arg5[%swap3A, %swap3A_14, %swap3A_15] : memref<1x1000x128xf32, #tpu.memory_space<vmem>>, vector<1x1000x128xf32>
    %swap3A_17 = vector.shape_cast %swap3A_16 : vector<1x1000x128xf32> to vector<1000x128xf32>
    %swap3A_18 = vector.shape_cast %add3A_13 : vector<1000x128xf32> to vector<1x1000x128xf32>
    tpu.vector_store %arg5[%swap3A, %swap3A_14, %swap3A_15], %swap3A_18 {strides = array<i32>} : memref<1x1000x128xf32, #tpu.memory_space<vmem>>, vector<1x1000x128xf32>,
    return
  }
  func.func @transform_0(%arg0: i32, %arg1: i32) -> (i32, i32) {
    %c0_i32 = arith.constant 0 : i32
    %c0_i32_0 = arith.constant 0 : i32
    return %arg1, %c0_i32 : i32, i32
  }
  func.func @transform_1(%arg0: i32, %arg1: i32) -> (i32, i32, i32) {
    %c0_i32 = arith.constant 0 : i32
    %c0_i32_0 = arith.constant 0 : i32
    %c0_i32_1 = arith.constant 0 : i32
    return %arg0, %c0_i32, %c0_i32_0 : i32, i32, i32
  }
  func.func @transform_2(%arg0: i32, %arg1: i32) -> (i32, i32, i32) {
    %c0_i32 = arith.constant 0 : i32
    %c0_i32_0 = arith.constant 0 : i32
    %c0_i32_1 = arith.constant 0 : i32
    return %arg0, %c0_i32, %c0_i32_0 : i32, i32, i32
  }
  func.func @transform_3(%arg0: i32, %arg1: i32) -> (i32, i32, i32) {
    %c0_i32 = arith.constant 0 : i32
    %c0_i32_0 = arith.constant 0 : i32
    return %arg0, %arg1, %c0_i32 : i32, i32, i32
  }
}

module attributes {stable_mosaic.version = 14 : i64} {
  func.func @_edge_body(%arg0: i32, %arg1: memref<2048x128xf32, #tpu.memory_space<vmem>>, %arg2: memref<2048x128xf32, #tpu.memory_space<vmem>>, %arg3: memref<128x128xf32, #tpu.memory_space<vmem>>, %arg4: memref<1x128xf32, #tpu.memory_space<vmem>>, %arg5: memref<2048x128xf32, #tpu.memory_space<vmem>>) attributes {dimension_semantics = [#tpu.dimension_semantics<arbitrary>], iteration_bounds = array<i64: 160>, scalar_prefetch = 0 : i64, scratch_operands = 0 : i64, tpu.core_type = #tpu.core_type<tc>, window_params = [{transform_indices = @transform_0, window_bounds = array<i64: 2048, 128>}, {transform_indices = @transform_1, window_bounds = array<i64: 2048, 128>}, {pipeline_mode = #tpu.pipeline_mode<synchronous>, transform_indices = @transform_2, window_bounds = array<i64: 128, 128>}, {pipeline_mode = #tpu.pipeline_mode<synchronous>, transform_indices = @transform_3, window_bounds = array<i64: 1, 128>}, {transform_indices = @transform_4, window_bounds = array<i64: 2048, 128>}]} {
    %get3A = arith.constant 0 : index
    %get3A_0 = arith.constant 0 : index
    %get3A_1 = vector.load %arg1[%get3A, %get3A_0] : memref<2048x128xf32, #tpu.memory_space<vmem>>, vector<2048x128xf32>
    %get3A_2 = arith.constant 0 : index
    %get3A_3 = arith.constant 0 : index
    %get3A_4 = vector.load %arg2[%get3A_2, %get3A_3] : memref<2048x128xf32, #tpu.memory_space<vmem>>, vector<2048x128xf32>
    %add3A = arith.addf %get3A_1, %get3A_4 : vector<2048x128xf32>
    %custom_jvp_call3A = arith.constant 0.000000e+00 : f32
    %max3A = vector.broadcast %custom_jvp_call3A : f32 to vector<2048x128xf32>
    %max3A_5 = arith.maximumf %add3A, %max3A : vector<2048x128xf32>
    %sub3A = vector.broadcast %custom_jvp_call3A : f32 to vector<2048x128xf32>
    %sub3A_6 = arith.subf %add3A, %sub3A : vector<2048x128xf32>
    %ne3A = arith.cmpf one, %sub3A_6, %sub3A_6 : vector<2048x128xf32>
    %add3A_7 = vector.broadcast %custom_jvp_call3A : f32 to vector<2048x128xf32>
    %add3A_8 = arith.addf %add3A, %add3A_7 : vector<2048x128xf32>
    %abs3A = math.absf %sub3A_6 : vector<2048x128xf32>
    %neg3A = arith.constant 0.000000e+00 : f32
    %neg3A_9 = vector.broadcast %neg3A : f32 to vector<2048x128xf32>
    %neg3A_10 = arith.subf %neg3A_9, %abs3A : vector<2048x128xf32>
    %exp3A = math.exp %neg3A_10 : vector<2048x128xf32>
    %log1p3A = math.log1p %exp3A : vector<2048x128xf32>
    %add3A_11 = arith.addf %max3A_5, %log1p3A : vector<2048x128xf32>
    %select_n3A = arith.select %ne3A, %add3A_8, %add3A_11 : vector<2048x128xi1>, vector<2048x128xf32>
    %get3A_12 = arith.constant 0 : index
    %get3A_13 = arith.constant 0 : index
    %get3A_14 = vector.load %arg3[%get3A_12, %get3A_13] : memref<128x128xf32, #tpu.memory_space<vmem>>, vector<128x128xf32>
    %dot_general3A = arith.constant dense<0.000000e+00> : vector<2048x128xf32>
    %dot_general3A_15 = tpu.matmul %select_n3A, %get3A_14, %dot_general3A {dimension_numbers = #tpu.dot_dimension_numbers<[1], [0], [0], [1], [0, 0, 1, 1], [], []>, transpose_lhs_hint = false} : vector<2048x128xf32>, vector<128x128xf32>, vector<2048x128xf32> -> vector<2048x128xf32>
    %get3A_16 = arith.constant 0 : index
    %get3A_17 = arith.constant 0 : index
    %get3A_18 = vector.load %arg4[%get3A_16, %get3A_17] : memref<1x128xf32, #tpu.memory_space<vmem>>, vector<1x128xf32>
    %add3A_19 = vector.broadcast %get3A_18 : vector<1x128xf32> to vector<2048x128xf32>
    %add3A_20 = arith.addf %dot_general3A_15, %add3A_19 : vector<2048x128xf32>
    %custom_jvp_call3A_21 = arith.constant 0.000000e+00 : f32
    %max3A_22 = vector.broadcast %custom_jvp_call3A_21 : f32 to vector<2048x128xf32>
    %max3A_23 = arith.maximumf %add3A_20, %max3A_22 : vector<2048x128xf32>
    %sub3A_24 = vector.broadcast %custom_jvp_call3A_21 : f32 to vector<2048x128xf32>
    %sub3A_25 = arith.subf %add3A_20, %sub3A_24 : vector<2048x128xf32>
    %ne3A_26 = arith.cmpf one, %sub3A_25, %sub3A_25 : vector<2048x128xf32>
    %add3A_27 = vector.broadcast %custom_jvp_call3A_21 : f32 to vector<2048x128xf32>
    %add3A_28 = arith.addf %add3A_20, %add3A_27 : vector<2048x128xf32>
    %abs3A_29 = math.absf %sub3A_25 : vector<2048x128xf32>
    %neg3A_30 = arith.constant 0.000000e+00 : f32
    %neg3A_31 = vector.broadcast %neg3A_30 : f32 to vector<2048x128xf32>
    %neg3A_32 = arith.subf %neg3A_31, %abs3A_29 : vector<2048x128xf32>
    %exp3A_33 = math.exp %neg3A_32 : vector<2048x128xf32>
    %log1p3A_34 = math.log1p %exp3A_33 : vector<2048x128xf32>
    %add3A_35 = arith.addf %max3A_23, %log1p3A_34 : vector<2048x128xf32>
    %select_n3A_36 = arith.select %ne3A_26, %add3A_28, %add3A_35 : vector<2048x128xi1>, vector<2048x128xf32>
    %swap3A = arith.constant 0 : index
    %swap3A_37 = arith.constant 0 : index
    %swap3A_38 = vector.load %arg5[%swap3A, %swap3A_37] : memref<2048x128xf32, #tpu.memory_space<vmem>>, vector<2048x128xf32>
    tpu.vector_store %arg5[%swap3A, %swap3A_37], %select_n3A_36 {strides = array<i32>} : memref<2048x128xf32, #tpu.memory_space<vmem>>, vector<2048x128xf32>,
    return
  }
  func.func @transform_0(%arg0: i32) -> (i32, i32) {
    %c0_i32 = arith.constant 0 : i32
    %c0_i32_0 = arith.constant 0 : i32
    return %arg0, %c0_i32 : i32, i32
  }
  func.func @transform_1(%arg0: i32) -> (i32, i32) {
    %add3A = arith.constant 160 : i32
    %add3A_0 = arith.addi %arg0, %add3A : i32
    %c0_i32 = arith.constant 0 : i32
    %c0_i32_1 = arith.constant 0 : i32
    return %add3A_0, %c0_i32 : i32, i32
  }
  func.func @transform_2(%arg0: i32) -> (i32, i32) {
    %c0_i32 = arith.constant 0 : i32
    %c0_i32_0 = arith.constant 0 : i32
    %c0_i32_1 = arith.constant 0 : i32
    return %c0_i32, %c0_i32_0 : i32, i32
  }
  func.func @transform_3(%arg0: i32) -> (i32, i32) {
    %c0_i32 = arith.constant 0 : i32
    %c0_i32_0 = arith.constant 0 : i32
    %c0_i32_1 = arith.constant 0 : i32
    return %c0_i32, %c0_i32_0 : i32, i32
  }
  func.func @transform_4(%arg0: i32) -> (i32, i32) {
    %c0_i32 = arith.constant 0 : i32
    %c0_i32_0 = arith.constant 0 : i32
    return %arg0, %c0_i32 : i32, i32
  }
}

module attributes {stable_mosaic.version = 14 : i64} {
  func.func @_node_body(%arg0: i32, %arg1: memref<1000x128xf32, #tpu.memory_space<vmem>>, %arg2: memref<1x1000x128xf32, #tpu.memory_space<vmem>>, %arg3: memref<1x1000x128xf32, #tpu.memory_space<vmem>>, %arg4: memref<128x128xf32, #tpu.memory_space<vmem>>, %arg5: memref<128x128xf32, #tpu.memory_space<vmem>>, %arg6: memref<1x128xf32, #tpu.memory_space<vmem>>, %arg7: memref<128x128xf32, #tpu.memory_space<vmem>>, %arg8: memref<1x128xf32, #tpu.memory_space<vmem>>, %arg9: memref<128x128xf32, #tpu.memory_space<vmem>>, %arg10: memref<1x128xf32, #tpu.memory_space<vmem>>, %arg11: memref<1000x128xf32, #tpu.memory_space<vmem>>) attributes {dimension_semantics = [#tpu.dimension_semantics<arbitrary>], iteration_bounds = array<i64: 10>, scalar_prefetch = 0 : i64, scratch_operands = 0 : i64, tpu.core_type = #tpu.core_type<tc>, window_params = [{transform_indices = @transform_0, window_bounds = array<i64: 1000, 128>}, {transform_indices = @transform_1, window_bounds = array<i64: 1, 1000, 128>}, {transform_indices = @transform_2, window_bounds = array<i64: 1, 1000, 128>}, {pipeline_mode = #tpu.pipeline_mode<synchronous>, transform_indices = @transform_3, window_bounds = array<i64: 128, 128>}, {pipeline_mode = #tpu.pipeline_mode<synchronous>, transform_indices = @transform_4, window_bounds = array<i64: 128, 128>}, {pipeline_mode = #tpu.pipeline_mode<synchronous>, transform_indices = @transform_5, window_bounds = array<i64: 1, 128>}, {pipeline_mode = #tpu.pipeline_mode<synchronous>, transform_indices = @transform_6, window_bounds = array<i64: 128, 128>}, {pipeline_mode = #tpu.pipeline_mode<synchronous>, transform_indices = @transform_7, window_bounds = array<i64: 1, 128>}, {pipeline_mode = #tpu.pipeline_mode<synchronous>, transform_indices = @transform_8, window_bounds = array<i64: 128, 128>}, {pipeline_mode = #tpu.pipeline_mode<synchronous>, transform_indices = @transform_9, window_bounds = array<i64: 1, 128>}, {transform_indices = @transform_10, window_bounds = array<i64: 1000, 128>}]} {
    %get3A = arith.constant 0 : index
    %get3A_0 = arith.constant 0 : index
    %get3A_1 = arith.constant 0 : index
    %get3A_2 = vector.load %arg2[%get3A, %get3A_0, %get3A_1] : memref<1x1000x128xf32, #tpu.memory_space<vmem>>, vector<1x1000x128xf32>
    %get3A_3 = vector.shape_cast %get3A_2 : vector<1x1000x128xf32> to vector<1000x128xf32>
    %get3A_4 = arith.constant 0 : index
    %get3A_5 = arith.constant 0 : index
    %get3A_6 = arith.constant 0 : index
    %get3A_7 = vector.load %arg3[%get3A_4, %get3A_5, %get3A_6] : memref<1x1000x128xf32, #tpu.memory_space<vmem>>, vector<1x1000x128xf32>
    %get3A_8 = vector.shape_cast %get3A_7 : vector<1x1000x128xf32> to vector<1000x128xf32>
    %add3A = arith.addf %get3A_3, %get3A_8 : vector<1000x128xf32>
    %get3A_9 = arith.constant 0 : index
    %get3A_10 = arith.constant 0 : index
    %get3A_11 = vector.load %arg1[%get3A_9, %get3A_10] : memref<1000x128xf32, #tpu.memory_space<vmem>>, vector<1000x128xf32>
    %get3A_12 = arith.constant 0 : index
    %get3A_13 = arith.constant 0 : index
    %get3A_14 = vector.load %arg4[%get3A_12, %get3A_13] : memref<128x128xf32, #tpu.memory_space<vmem>>, vector<128x128xf32>
    %dot_general3A = arith.constant dense<0.000000e+00> : vector<1000x128xf32>
    %dot_general3A_15 = tpu.matmul %get3A_11, %get3A_14, %dot_general3A {dimension_numbers = #tpu.dot_dimension_numbers<[1], [0], [0], [1], [0, 0, 1, 1], [], []>, transpose_lhs_hint = false} : vector<1000x128xf32>, vector<128x128xf32>, vector<1000x128xf32> -> vector<1000x128xf32>
    %get3A_16 = arith.constant 0 : index
    %get3A_17 = arith.constant 0 : index
    %get3A_18 = vector.load %arg5[%get3A_16, %get3A_17] : memref<128x128xf32, #tpu.memory_space<vmem>>, vector<128x128xf32>
    %dot_general3A_19 = arith.constant dense<0.000000e+00> : vector<1000x128xf32>
    %dot_general3A_20 = tpu.matmul %add3A, %get3A_18, %dot_general3A_19 {dimension_numbers = #tpu.dot_dimension_numbers<[1], [0], [0], [1], [0, 0, 1, 1], [], []>, transpose_lhs_hint = false} : vector<1000x128xf32>, vector<128x128xf32>, vector<1000x128xf32> -> vector<1000x128xf32>
    %add3A_21 = arith.addf %dot_general3A_15, %dot_general3A_20 : vector<1000x128xf32>
    %get3A_22 = arith.constant 0 : index
    %get3A_23 = arith.constant 0 : index
    %get3A_24 = vector.load %arg6[%get3A_22, %get3A_23] : memref<1x128xf32, #tpu.memory_space<vmem>>, vector<1x128xf32>
    %add3A_25 = vector.broadcast %get3A_24 : vector<1x128xf32> to vector<1000x128xf32>
    %add3A_26 = arith.addf %add3A_21, %add3A_25 : vector<1000x128xf32>
    %custom_jvp_call3A = arith.constant 0.000000e+00 : f32
    %max3A = vector.broadcast %custom_jvp_call3A : f32 to vector<1000x128xf32>
    %max3A_27 = arith.maximumf %add3A_26, %max3A : vector<1000x128xf32>
    %sub3A = vector.broadcast %custom_jvp_call3A : f32 to vector<1000x128xf32>
    %sub3A_28 = arith.subf %add3A_26, %sub3A : vector<1000x128xf32>
    %ne3A = arith.cmpf one, %sub3A_28, %sub3A_28 : vector<1000x128xf32>
    %add3A_29 = vector.broadcast %custom_jvp_call3A : f32 to vector<1000x128xf32>
    %add3A_30 = arith.addf %add3A_26, %add3A_29 : vector<1000x128xf32>
    %abs3A = math.absf %sub3A_28 : vector<1000x128xf32>
    %neg3A = arith.constant 0.000000e+00 : f32
    %neg3A_31 = vector.broadcast %neg3A : f32 to vector<1000x128xf32>
    %neg3A_32 = arith.subf %neg3A_31, %abs3A : vector<1000x128xf32>
    %exp3A = math.exp %neg3A_32 : vector<1000x128xf32>
    %log1p3A = math.log1p %exp3A : vector<1000x128xf32>
    %add3A_33 = arith.addf %max3A_27, %log1p3A : vector<1000x128xf32>
    %select_n3A = arith.select %ne3A, %add3A_30, %add3A_33 : vector<1000x128xi1>, vector<1000x128xf32>
    %get3A_34 = arith.constant 0 : index
    %get3A_35 = arith.constant 0 : index
    %get3A_36 = vector.load %arg7[%get3A_34, %get3A_35] : memref<128x128xf32, #tpu.memory_space<vmem>>, vector<128x128xf32>
    %dot_general3A_37 = arith.constant dense<0.000000e+00> : vector<1000x128xf32>
    %dot_general3A_38 = tpu.matmul %select_n3A, %get3A_36, %dot_general3A_37 {dimension_numbers = #tpu.dot_dimension_numbers<[1], [0], [0], [1], [0, 0, 1, 1], [], []>, transpose_lhs_hint = false} : vector<1000x128xf32>, vector<128x128xf32>, vector<1000x128xf32> -> vector<1000x128xf32>
    %get3A_39 = arith.constant 0 : index
    %get3A_40 = arith.constant 0 : index
    %get3A_41 = vector.load %arg8[%get3A_39, %get3A_40] : memref<1x128xf32, #tpu.memory_space<vmem>>, vector<1x128xf32>
    %add3A_42 = vector.broadcast %get3A_41 : vector<1x128xf32> to vector<1000x128xf32>
    %add3A_43 = arith.addf %dot_general3A_38, %add3A_42 : vector<1000x128xf32>
    %custom_jvp_call3A_44 = arith.constant 0.000000e+00 : f32
    %max3A_45 = vector.broadcast %custom_jvp_call3A_44 : f32 to vector<1000x128xf32>
    %max3A_46 = arith.maximumf %add3A_43, %max3A_45 : vector<1000x128xf32>
    %sub3A_47 = vector.broadcast %custom_jvp_call3A_44 : f32 to vector<1000x128xf32>
    %sub3A_48 = arith.subf %add3A_43, %sub3A_47 : vector<1000x128xf32>
    %ne3A_49 = arith.cmpf one, %sub3A_48, %sub3A_48 : vector<1000x128xf32>
    %add3A_50 = vector.broadcast %custom_jvp_call3A_44 : f32 to vector<1000x128xf32>
    %add3A_51 = arith.addf %add3A_43, %add3A_50 : vector<1000x128xf32>
    %abs3A_52 = math.absf %sub3A_48 : vector<1000x128xf32>
    %neg3A_53 = arith.constant 0.000000e+00 : f32
    %neg3A_54 = vector.broadcast %neg3A_53 : f32 to vector<1000x128xf32>
    %neg3A_55 = arith.subf %neg3A_54, %abs3A_52 : vector<1000x128xf32>
    %exp3A_56 = math.exp %neg3A_55 : vector<1000x128xf32>
    %log1p3A_57 = math.log1p %exp3A_56 : vector<1000x128xf32>
    %add3A_58 = arith.addf %max3A_46, %log1p3A_57 : vector<1000x128xf32>
    %select_n3A_59 = arith.select %ne3A_49, %add3A_51, %add3A_58 : vector<1000x128xi1>, vector<1000x128xf32>
    %get3A_60 = arith.constant 0 : index
    %get3A_61 = arith.constant 0 : index
    %get3A_62 = vector.load %arg9[%get3A_60, %get3A_61] : memref<128x128xf32, #tpu.memory_space<vmem>>, vector<128x128xf32>
    %dot_general3A_63 = arith.constant dense<0.000000e+00> : vector<1000x128xf32>
    %dot_general3A_64 = tpu.matmul %select_n3A_59, %get3A_62, %dot_general3A_63 {dimension_numbers = #tpu.dot_dimension_numbers<[1], [0], [0], [1], [0, 0, 1, 1], [], []>, transpose_lhs_hint = false} : vector<1000x128xf32>, vector<128x128xf32>, vector<1000x128xf32> -> vector<1000x128xf32>
    %get3A_65 = arith.constant 0 : index
    %get3A_66 = arith.constant 0 : index
    %get3A_67 = vector.load %arg10[%get3A_65, %get3A_66] : memref<1x128xf32, #tpu.memory_space<vmem>>, vector<1x128xf32>
    %add3A_68 = vector.broadcast %get3A_67 : vector<1x128xf32> to vector<1000x128xf32>
    %add3A_69 = arith.addf %dot_general3A_64, %add3A_68 : vector<1000x128xf32>
    %swap3A = arith.constant 0 : index
    %swap3A_70 = arith.constant 0 : index
    %swap3A_71 = vector.load %arg11[%swap3A, %swap3A_70] : memref<1000x128xf32, #tpu.memory_space<vmem>>, vector<1000x128xf32>
    tpu.vector_store %arg11[%swap3A, %swap3A_70], %add3A_69 {strides = array<i32>} : memref<1000x128xf32, #tpu.memory_space<vmem>>, vector<1000x128xf32>,
    return
  }
  func.func @transform_0(%arg0: i32) -> (i32, i32) {
    %c0_i32 = arith.constant 0 : i32
    %c0_i32_0 = arith.constant 0 : i32
    return %arg0, %c0_i32 : i32, i32
  }
  func.func @transform_1(%arg0: i32) -> (i32, i32, i32) {
    %c0_i32 = arith.constant 0 : i32
    %c0_i32_0 = arith.constant 0 : i32
    %c0_i32_1 = arith.constant 0 : i32
    return %c0_i32, %arg0, %c0_i32_0 : i32, i32, i32
  }
  func.func @transform_2(%arg0: i32) -> (i32, i32, i32) {
    %c1_i32 = arith.constant 1 : i32
    %c0_i32 = arith.constant 0 : i32
    %c0_i32_0 = arith.constant 0 : i32
    return %c1_i32, %arg0, %c0_i32 : i32, i32, i32
  }
  func.func @transform_3(%arg0: i32) -> (i32, i32) {
    %c0_i32 = arith.constant 0 : i32
    %c0_i32_0 = arith.constant 0 : i32
    %c0_i32_1 = arith.constant 0 : i32
    return %c0_i32, %c0_i32_0 : i32, i32
  }
  func.func @transform_4(%arg0: i32) -> (i32, i32) {
    %c0_i32 = arith.constant 0 : i32
    %c0_i32_0 = arith.constant 0 : i32
    %c0_i32_1 = arith.constant 0 : i32
    return %c0_i32, %c0_i32_0 : i32, i32
  }
  func.func @transform_5(%arg0: i32) -> (i32, i32) {
    %c0_i32 = arith.constant 0 : i32
    %c0_i32_0 = arith.constant 0 : i32
    %c0_i32_1 = arith.constant 0 : i32
    return %c0_i32, %c0_i32_0 : i32, i32
  }
  func.func @transform_6(%arg0: i32) -> (i32, i32) {
    %c0_i32 = arith.constant 0 : i32
    %c0_i32_0 = arith.constant 0 : i32
    %c0_i32_1 = arith.constant 0 : i32
    return %c0_i32, %c0_i32_0 : i32, i32
  }
  func.func @transform_7(%arg0: i32) -> (i32, i32) {
    %c0_i32 = arith.constant 0 : i32
    %c0_i32_0 = arith.constant 0 : i32
    %c0_i32_1 = arith.constant 0 : i32
    return %c0_i32, %c0_i32_0 : i32, i32
  }
  func.func @transform_8(%arg0: i32) -> (i32, i32) {
    %c0_i32 = arith.constant 0 : i32
    %c0_i32_0 = arith.constant 0 : i32
    %c0_i32_1 = arith.constant 0 : i32
    return %c0_i32, %c0_i32_0 : i32, i32
  }
  func.func @transform_9(%arg0: i32) -> (i32, i32) {
    %c0_i32 = arith.constant 0 : i32
    %c0_i32_0 = arith.constant 0 : i32
    %c0_i32_1 = arith.constant 0 : i32
    return %c0_i32, %c0_i32_0 : i32, i32
  }
  func.func @transform_10(%arg0: i32) -> (i32, i32) {
    %c0_i32 = arith.constant 0 : i32
    %c0_i32_0 = arith.constant 0 : i32
    return %arg0, %c0_i32 : i32, i32
  }
}

</mosaic_0001>

<sc_bundles>
// kernel: kernel.10.cloned.1.call-start
scs
__scs_entry_jumppad:
0x0: {  	(pc) =	sbr.rel $0x88, $3  }
0x1: {  	(tag) =	ssettag $0x0;
	lr =	simm.s32 $0x1  }
0x2: {  	[smem:$0x3F95] =	sst lr;
	_ =	strace $0xD0000000  }
0x3: {  	_ = 	snop  }
0x4: {  	_ = 	snop  }
0x5: {  	_ = 	snop  }
0x6: {  	_ = 	snop  }
0x7: {  	_ = 	snop  }
__scs_overlays_trampoline_lowered:
0x8: {  	[smem:$0x3FA4] =	sst s0  }
0x9: {  	[smem:$0x3FA5] =	sst s1  }
0xa: {  	[smem:$0x3FA6] =	sst s2  }
0xb: {  	[smem:$0x3FA7] =	sst s3  }
0xc: {  	[smem:$0x3FA8] =	sst s4  }
0xd: {  	[smem:$0x3FA9] =	sst s5  }
0xe: {  	[smem:$0x3FAA] =	sst s6  }
0xf: {  	[smem:$0x3FAB] =	sst s7  }
0x10: {  	[smem:$0x3FAC] =	sst s8  }
0x11: {  	[smem:$0x3FAD] =	sst s9;
	s0 =	simm.s32 @!p0 $0x0  }
0x12: {  	s1 =	sld [smem:$0x3F93];
	s0 =	simm.s32 @p0 $0x1  }
0x13: {  	[smem:$0x3FAE] =	sst s0;
	s0 =	simm.s32 @!p1 $0x0  }
0x14: {  	s2 =	sld [smem:$0x3F92];
	s0 =	simm.s32 @p1 $0x1  }
0x15: {  	[smem:$0x3FAF] =	sst s0;
	s0 =	simm.s32 @!p2 $0x0  }
0x16: {  	s3 =	sld [smem:$0x3FDB];
	s0 =	simm.s32 @p2 $0x1  }
0x17: {  	s4 =	simm.s32 $0x1BF5;
	[smem:$0x3FB1] =	sst s0  }
0x18: {  	s0 =	sld [smem:$0x3F94];
	_ =	swait.ge [sflag:s4], $0x0  }
0x19: {  	s7 =	sld [smem:$0x3F95]  }
0x1a: {  	s8 =	sadd.s32 $0xFFFFE003, lr  }
0x1b: {  	s9 =	sadd.s32 $0xFFFFFEF7, lr;
	s5 =	simm.s32 $0xFFFFFFFF;
	p2 =	slt.u32 s8, $0xFFFFF086  }
0x1c: {  	p1 =	slt.u32 s9, $0xF7A;
	s5 =	simm.s32 @!p2 $0x0  }
0x1d: {  	s5 =	simm.s32 @p1 $0x1;
	p0 =	seq.s32 s7, s2  }
0x1e: {  	s7 =	smul.u32 @!p0 $0xF7A, s2;
	p2 =	seq.s32 @!p0 s5, $0x0  }
0x1f: {  	s9 =	smul.u32 $0xF7A, s1;
	s8 =	simm.s32 @!p0 $0x1BF5;
	p2 =	por !p2, p0  }
0x20: {  	[sflag:s8] =	ssyncset.s32 @!p0 $0xFFFFF086;
	s6 =	sadd.s32 @!p0 s3, s7;
	s7 =	simm.s32 @!p0 $0x108  }
0x21: {  	s3 =	sadd.s32 s3, s9;
	s6 =	sadd.s32 @!p0 $0x88, s6;
	s7 =	simm.s32 @p2 $0x1082  }
0x22: {  	[simem:s7], [sflag:s8] =	dma.local @!p0 [hbm:s6], $0xF7A  }
0x23: {  	s9 =	sor.u32 $0xD0000000, s2;
	s6 =	simm.s32 $0x108;
	_ =	swait.ge @!p0 [sflag:s8], $0x0  }
0x24: {  	s3 =	sadd.s32 $0x88, s3;
	s6 =	simm.s32 @!p1 $0x1082;
	[sflag:s4] =	ssyncset.s32 $0xFFFFF086  }
0x25: {  	[simem:s6], [sflag:s4] =	dma.local [hbm:s3], $0xF7A  }
0x26: {  	[smem:$0x3F95] =	sst s1;
	(tag) =	ssettag s2;
	_ =	strace s9  }
0x27: {  	s1 =	sld [smem:$0x3FA5]  }
0x28: {  	s2 =	sld [smem:$0x3FA6]  }
0x29: {  	s4 =	sld [smem:$0x3FA8]  }
0x2a: {  	p0 =	seq.s32 s5, $0x0;
	s5 =	sld [smem:$0x3FA9]  }
0x2b: {  	s6 =	sld [smem:$0x3FAA]  }
0x2c: {  	s7 =	sld [smem:$0x3FAB]  }
0x2d: {  	s3 =	simm.s32 $0x108;
	s8 =	sld [smem:$0x3FAC]  }
0x2e: {  	s3 =	simm.s32 @!p0 $0x1082;
	s9 =	sld [smem:$0x3FAD]  }
0x2f: {  	lr =	sadd.s32 s0, s3;
	s0 =	sld [smem:$0x3FA4]  }
0x30: {  	s3 =	sld [smem:$0x3FA7]  }
0x31: {  	[smem:$0x3FB0] =	sst s10  }
0x32: {  	s10 =	sld [smem:$0x3FAE];
	_ =	sdelay $0x3  }
0x33: {  	p0 =	seq.s32 s10, $0x1;
	s10 =	sld [smem:$0x3FB0];
	_ =	sdelay $0x3  }
0x34: {  	[smem:$0x3FB0] =	sst s10  }
0x35: {  	s10 =	sld [smem:$0x3FAF];
	_ =	sdelay $0x3  }
0x36: {  	p1 =	seq.s32 s10, $0x1;
	s10 =	sld [smem:$0x3FB0];
	_ =	sdelay $0x3  }
0x37: {  	[smem:$0x3FB0] =	sst s10  }
0x38: {  	s10 =	sld [smem:$0x3FB1]  }
0x39: {  	_ = 	snop;
	(pc) =	sbr.ind lr, $3  }
0x3a: {  	_ = 	snop  }
0x3b: {  	_ = 	snop  }
0x3c: {  	p2 =	seq.s32 s10, $0x1;
	s10 =	sld [smem:$0x3FB0]  }
0x3d: {  	_ =	shalt  }
0x3e: {  	_ =	shalt  }
0x3f: {  	_ =	shalt  }
0x40: {  	_ =	shalt  }
0x41: {  	_ =	shalt  }
0x42: {  	_ =	shalt  }
0x43: {  	_ =	shalt  }
0x44: {  	_ =	shalt  }
0x45: {  	_ =	shalt  }
0x46: {  	_ =	shalt  }
0x47: {  	_ =	shalt  }
0x48: {  	_ =	shalt  }
0x49: {  	_ =	shalt  }
0x4a: {  	_ =	shalt  }
0x4b: {  	_ =	shalt  }
0x4c: {  	_ =	shalt  }
0x4d: {  	_ =	shalt  }
0x4e: {  	_ =	shalt  }
0x4f: {  	_ =	shalt  }
0x50: {  	_ =	shalt  }
0x51: {  	_ =	shalt  }
0x52: {  	_ =	shalt  }
0x53: {  	_ =	shalt  }
0x54: {  	_ =	shalt  }
0x55: {  	_ =	shalt  }
0x56: {  	_ =	shalt  }
0x57: {  	_ =	shalt  }
0x58: {  	_ =	shalt  }
0x59: {  	_ =	shalt  }
0x5a: {  	_ =	shalt  }
0x5b: {  	_ =	shalt  }
0x5c: {  	_ =	shalt  }
0x5d: {  	_ =	shalt  }
0x5e: {  	_ =	shalt  }
0x5f: {  	_ =	shalt  }
0x60: {  	_ =	shalt  }
0x61: {  	_ =	shalt  }
0x62: {  	_ =	shalt  }
0x63: {  	_ =	shalt  }
0x64: {  	_ =	shalt  }
0x65: {  	_ =	shalt  }
0x66: {  	_ =	shalt  }
0x67: {  	_ =	shalt  }
0x68: {  	_ =	shalt  }
0x69: {  	_ =	shalt  }
0x6a: {  	_ =	shalt  }
0x6b: {  	_ =	shalt  }
0x6c: {  	_ =	shalt  }
0x6d: {  	_ =	shalt  }
0x6e: {  	_ =	shalt  }
0x6f: {  	_ =	shalt  }
0x70: {  	_ =	shalt  }
0x71: {  	_ =	shalt  }
0x72: {  	_ =	shalt  }
0x73: {  	_ =	shalt  }
0x74: {  	_ =	shalt  }
0x75: {  	_ =	shalt  }
0x76: {  	_ =	shalt  }
0x77: {  	_ =	shalt  }
0x78: {  	_ =	shalt  }
0x79: {  	_ =	shalt  }
0x7a: {  	_ =	shalt  }
0x7b: {  	_ =	shalt  }
0x7c: {  	_ =	shalt  }
0x7d: {  	_ =	shalt  }
0x7e: {  	_ =	shalt  }
0x7f: {  	_ =	shalt  }
0x80: {  	_ =	shalt  }
0x81: {  	_ =	shalt  }
0x82: {  	_ =	shalt  }
0x83: {  	_ =	shalt  }
0x84: {  	_ =	shalt  }
0x85: {  	_ =	shalt  }
0x86: {  	_ =	shalt  }
0x87: {  	_ =	shalt  }
.Lfunc_end0:
.L_simem_size_0:
called_computation.1_lowered:
.L_overlay_start_0:
0x88: {  	s2 =	sld [smem:$0x3FD9]  }
0x89: {  	s3 =	sld [smem:$0x3FFE];
	_ =	sdelay $0x1  }
0x8a: {  	s1 =	srdreg.scid  }
0x8b: {  	s0 =	sand.u32 $0x1, s1  }
0x8c: {  	s16 =	sshll.u32 s0, $0xA;
	s2 =	sadd.s32 s3, s2  }
0x8d: {  	s2 =	sadd.s32 s2, s16  }
0x8e: {  	[smem:$0x3FBC] =	sst s2  }
0x8f: {  	_ = 	snop  }
0x90: {  	(tm) =	ssettm $0x1  }
0x91: {  	s17 =	sld [smem:$0x3FFB];
	_ =	sdelay $0x3  }
0x92: {  	_ =	strace s17  }
0x93: {  	s2 =	sld [smem:$0x3FFC];
	_ =	sdelay $0x3  }
0x94: {  	_ =	strace s2  }
0x95: {  	s2 =	sld [smem:$0x3FFD];
	_ =	sdelay $0x3  }
0x96: {  	_ =	strace s2  }
0x97: {  	_ =	strace $0x8FFFFFFF  }
0x98: {  	s18 =	sld [smem:$0x3FDB];
	_ =	sdelay $0x1  }
0x99: {  	s19 =	simm.s32 $_scs_section_size  }
0x9a: {  	s4 =	simm.s32 $_size__tile_overlayer_lowered;
	s5 =	simm.s32 $_tile_overlayer_lowered  }
0x9b: {  	s22 =	simm.s32 $0x1BFF;
	s21 =	sshll.u32 s5, $0x1;
	s2 =	sadd.s32 s19, s18  }
0x9c: {  	s6 =	simm.s32 $0x0;
	s20 =	sshll.u32 s4, $0x1;
	s4 =	sadd.s32 s21, s2  }
0x9d: {  	[timem:s6], [sflag:s22] =	dma.local [hbm:s4], s20  }
0x9e: {  	_ =	swait.ge [sflag:s22], s20  }
0x9f: {  	s3 =	ssub.s32 $0x0, s20;
	[sflag:s22] =	ssyncset.done $0x0  }
0xa0: {  	[sflag:s22] =	ssyncadd.s32 s3;
	_ =	sdelay $0x1  }
0xa1: {  	s23 =	simm.s32 $0x1B8B  }
0xa2: {  	_ =	swait.ge [sflag:s23], $0x1  }
0xa3: {  	[sflag:s23] =	ssyncset.done $0x0  }
0xa4: {  	s25 =	simm.s32 $0x1B8E;
	s24 =	sld [smem:$0x3FFE];
	[sflag:s23] =	ssyncadd.s32 $0xFFFFFFFF  }
0xa5: {  	s26 =	simm.s32 $execute0_lowered;
	[smem:$0x3FD2] =	sst s25  }
0xa6: {  	s4 =	sshll.u32 s26, $0x1;
	_ =	strace $0x80000049;
	[dreg:$0x1] =	wrdreg $0xFFFFFFFF  }
0xa7: {  	s28 =	simm.s32 $_size_execute0_lowered;
	s2 =	sadd.s32 s2, s4;
	[dreg:$0x0] =	wrdreg $0x0  }
0xa8: {  	s4 =	sshll.u32 s28, $0x1;
	[dreg:$0x2] =	wrdreg s2  }
0xa9: {  	[dreg:$0x3] =	wrdreg s4  }
0xaa: {  	[dreg:$0x4] =	wrdreg $0xC0  }
0xab: {  	_ =	task [dreg:s6], $0x5FFFF  }
0xac: {  	[dreg:$0x1] =	wrdreg $0xFFFFFFFF  }
0xad: {  	[dreg:$0x0] =	wrdreg $0x60  }
0xae: {  	[dreg:$0x2] =	wrdreg s24  }
0xaf: {  	[dreg:$0x3] =	wrdreg $0xA8000  }
0xb0: {  	[dreg:$0x4] =	wrdreg $0x9  }
0xb1: {  	_ =	task.clear_ibuf [dreg:s6], $0x5FFFF;
	_ =	strace $0x90000049  }
0xb2: {  	s29 =	simm.s32 $0x9;
	_ =	strace $0x8000004B  }
0xb3: {  	_ =	swait.ge [sflag:s29], $0x1  }
0xb4: {  	[sflag:s29] =	ssyncadd.s32 $0xFFFFFFFF  }
0xb5: {  	_ =	strace $0x9000004B  }
0xb6: {  	_ =	sfence  }
0xb7: {  	s30 =	sld [smem:$0x0];
	_ =	sdelay $0x2  }
0xb8: {  	s31 =	sshll.u32 s1, $0xD;
	s1 =	sshrl.u32 s1, $0x2  }
0xb9: {  	s3 =	sand.u32 $0x4000, s31;
	s1 =	sadd.s32 s1, s30  }
0xba: {  	s0 =	sor.u32 s3, s0;
	s1 =	sshll.u32 s1, $0x11  }
0xbb: {  	s0 =	sor.u32 s1, s0  }
0xbc: {  	s0 =	sadd.s32 $0x8F2B, s0  }
0xbd: {  	[sflag:s0] =	ssyncadd.remote.s32 $0x1  }
0xbe: {  	_ =	sfence.sel $0xFFFF  }
0xbf: {  	[dreg:$0x0] =	wrdreg $0xFFFFFFFF;
	(pc) =	sbr.abs _section_cstart, $3  }
0xc0: {  	[dreg:$0x1] =	wrdreg $0xFFFFFFFF  }
0xc1: {  	_ =	task.clear_ibuf [dreg:s6], $0x2FFFF;
	_ =	strace $0x9FFFFFFF  }
0xc2: {  	(tm) =	ssettm $0x7FFFFFFF  }
0xc3: {  	_ =	shalt  }
tec
execute0_lowered:
.L_overlay_start_1:
0x0: {  	(tag) =	ssettag $0x1  }
0x1: {  	s1 =	srdreg.scid  }
0x2: {  	s0 =	stileid.u32;
	s5 =	rddreg [dreg:$0x0]  }
0x3: {  	s2 =	rddreg [dreg:$0x1];
	s3 =	simm.s32 $0x0;
	s17 =	simm.s32 $0x1  }
0x4: {  	s18 =	simm.s32 $0x80;
	s19 =	simm.s32 $0x2;
	s20 =	simm.s32 $0x2700  }
0x5: {  	s4 =	sand.u32 $0x1, s1;
	s1 =	rddreg [dreg:$0x2];
	s8 =	smul.u32 $0x14000, s0  }
0x6: {  	s21 =	sshll.u32 s0, $0x1;
	[smem:$0x7FF] =	sst s3;
	s11 =	smul.u32 $0x50000, s0  }
0x7: {  	s12 =	sadd.s32 $0xA5AA00, s5;
	s25 =	sshll.u32 s0, $0x6;
	s16 =	smul.u32 $0x280000, s0  }
0x8: {  	s6 =	sor.u32 s4, s21;
	s10 =	smul.u32 $0x140000, s4;
	_ =	strace $0x8000004A  }
0x9: {  	s4 =	ssub.s32 $0x2, s4;
	s21 =	simm.s32 $0x2780;
	s7 =	smul.u32 $0x500, s6  }
0xa: {  	s9 =	sshrl.u32 s8, $0x3;
	s22 =	sshrl.u32 s4, $0x1;
	s24 =	smul.u32 $0x28000, s6  }
0xb: {  	s23 =	sshrl.u32 s11, $0x2;
	s15 =	smul.u32 $0x140000, s6;
	s8 =	sadd.s32 s8, s10  }
0xc: {  	s9 =	sadd.s32 s9, s5;
	s13 =	ssub.s32 s4, s22;
	s14 =	sadd.s32 s23, s2  }
0xd: {  	s10 =	sadd.s32 s10, s16;
	s16 =	simm.s32 $0x6800;
	s22 =	simm.s32 $0x0  }
0xe: {  	s7 =	sadd.s32 s7, s5;
	s8 =	sshrl.u32 s8, $0x3;
	s4 =	sadd.s32 $0xC800, s9  }
0xf: {  	s9 =	smax.u32 s13, $0x1;
	s26 =	sshrl.u32 s15, $0x3;
	s28 =	sor.u32 $0x8000, s10  }
0x10: {  	s29 =	sor.u32 $0x4000, s10;
	s13 =	sshrl.u32 s14, $0x3;
	s14 =	simm.s32 $0x3  }
0x11: {  	s15 =	simm.s32 $0x2800;
	s8 =	sadd.s32 s8, s5;
	s5 =	sor.u32 $0x1C03, s25  }
0x12: {  	s6 =	sadd.s32 $0x2800, s7;
	s7 =	sadd.s32 s12, s24;
	s11 =	sadd.s32 s12, s26  }
0x13: {  	s30 =	sshrl.u32 s28, $0x3;
	s31 =	sshrl.u32 s29, $0x3;
	s8 =	sadd.s32 $0x34800, s8  }
0x14: {  	s10 =	sadd.s32 $0x27800, s11;
	s11 =	sadd.s32 s30, s12;
	s12 =	sadd.s32 s31, s12  }
.LBB2_1:
0x15: {  	[spmem:s13], [sflag:s5] =	dma.local [hbm:s4], $0x2800  }
0x16: {  	_ =	swait.ge [sflag:s14], $0x2800  }
0x17: {  	[sflag:s14] =	ssyncset.done $0x0  }
0x18: {  	[sflag:s14] =	ssyncadd.s32 $0xFFFFD800  }
0x19: {  	[tilespmem:s3], [sflag:$0x3] =	stream.linear.gather [hbm4b:s6+s3], $0x2800, $0x38;
	[tilespmem:$0x1E800] =	vst v63  }
0x1a: {  	_ =	swait.ge [sflag:s14], $0x2800  }
0x1b: {  	[sflag:s14] =	ssyncset.done $0x0  }
0x1c: {  	[sflag:s14] =	ssyncadd.s32 $0xFFFFD800  }
0x1d: {  	[bflag:$0x0] =	sbarrier.arrive $0xFFFF  }
0x1e: {  	[tilespmem:s15], [sflag:$0x1] =	stream.linear.gather [hbm4b:s7+s3], $0x4000, $0x38;
	[tilespmem:$0x1E800] =	vst v63  }
0x1f: {  	s23 =	sadd.s32 $0x0, s12  }
0x20: {  	[tilespmem:s16], [sflag:$0x2] =	stream.linear.gather [hbm4b:s23+s3], $0x4000, $0x38;
	[tilespmem:$0x1E800] =	vst v63  }
0x21: {  	_ =	swait.ge [sflag:s17], $0x4000  }
0x22: {  	[sflag:s17] =	ssyncset.done $0x0  }
0x23: {  	[sflag:s17] =	ssyncadd.s32 $0xFFFFC000  }
0x24: {  	[spmem:s2] =	stream.indirect.scatter.add.f32 [tilespmem:s15], [sflag:$0x3], $0x80, s3, s18, $0xb8;
	[tilespmem:$0x1E800] =	vst v63  }
0x25: {  	_ =	swait.ge [sflag:s14], $0x4000  }
0x26: {  	[sflag:s14] =	ssyncset.done $0x0  }
0x27: {  	s30 =	sadd.s32 $0x0, s11;
	[sflag:s14] =	ssyncadd.s32 $0xFFFFC000  }
0x28: {  	[tilespmem:s15], [sflag:$0x1] =	stream.linear.gather [hbm4b:s30+s3], $0x4000, $0x38;
	[tilespmem:$0x1E800] =	vst v63  }
0x29: {  	_ =	swait.ge [sflag:s19], $0x4000  }
0x2a: {  	[sflag:s19] =	ssyncset.done $0x0  }
0x2b: {  	s31 =	simm.s32 $0x80;
	[sflag:s19] =	ssyncadd.s32 $0xFFFFC000  }
0x2c: {  	[spmem:s2] =	stream.indirect.scatter.add.f32 [tilespmem:s16], [sflag:$0x3], $0x80, s31, s18, $0xb8;
	[tilespmem:$0x1E800] =	vst v63  }
0x2d: {  	s24 =	simm.s32 $0x1000;
	_ =	swait.ge [sflag:s14], $0x4000  }
0x2e: {  	s25 =	simm.s32 $0x2000;
	s23 =	simm.s32 $0x100;
	[sflag:s14] =	ssyncset.done $0x0  }
.LBB2_2:
0x2f: {  	s26 =	sadd.s32 s24, s12  }
0x30: {  	[sflag:s14] =	ssyncadd.s32 $0xFFFFC000;
	s28 =	smov.u32 s25;
	s29 =	sadd.s32 $0x1000, s25  }
0x31: {  	[tilespmem:s16], [sflag:$0x2] =	stream.linear.gather [hbm4b:s26+s3], $0x4000, $0x38;
	[tilespmem:$0x1E800] =	vst v63  }
0x32: {  	p0 =	sne.s32 s25, $0x26000;
	_ =	swait.ge [sflag:s17], $0x4000  }
0x33: {  	[sflag:s17] =	ssyncset.done $0x0  }
0x34: {  	[sflag:s17] =	ssyncadd.s32 $0xFFFFC000  }
0x35: {  	[spmem:s2] =	stream.indirect.scatter.add.f32 [tilespmem:s15], [sflag:$0x3], $0x80, s23, s18, $0xb8;
	[tilespmem:$0x1E800] =	vst v63  }
0x36: {  	_ =	swait.ge [sflag:s14], $0x4000  }
0x37: {  	[sflag:s14] =	ssyncset.done $0x0  }
0x38: {  	s25 =	sadd.s32 s24, s11;
	s24 =	smov.u32 s28;
	[sflag:s14] =	ssyncadd.s32 $0xFFFFC000  }
0x39: {  	[tilespmem:s15], [sflag:$0x1] =	stream.linear.gather [hbm4b:s25+s3], $0x4000, $0x38;
	[tilespmem:$0x1E800] =	vst v63  }
0x3a: {  	_ =	swait.ge [sflag:s19], $0x4000  }
.Ltmp0:
0x3b: {  	[sflag:s19] =	ssyncset.done $0x0;
	(pc) =	sbr.rel @p0 .LBB2_2-.Ltmp0, $4  }
0x3c: {  	s25 =	sadd.s32 $0x80, s23;
	[sflag:s19] =	ssyncadd.s32 $0xFFFFC000  }
0x3d: {  	[spmem:s2] =	stream.indirect.scatter.add.f32 [tilespmem:s16], [sflag:$0x3], $0x80, s25, s18, $0xb8;
	[tilespmem:$0x1E800] =	vst v63  }
0x3e: {  	_ =	swait.ge [sflag:s14], $0x4000  }
0x3f: {  	s23 =	sadd.s32 $0x100, s23;
	s25 =	smov.u32 s29;
	[sflag:s14] =	ssyncset.done $0x0  }
0x40: {  	s25 =	sadd.s32 s24, s12;
	[sflag:s14] =	ssyncadd.s32 $0xFFFFC000  }
0x41: {  	[tilespmem:s16], [sflag:$0x2] =	stream.linear.gather [hbm4b:s25+s3], $0x4000, $0x38;
	[tilespmem:$0x1E800] =	vst v63  }
0x42: {  	_ =	swait.ge [sflag:s17], $0x4000  }
0x43: {  	[sflag:s17] =	ssyncset.done $0x0  }
0x44: {  	[sflag:s17] =	ssyncadd.s32 $0xFFFFC000  }
0x45: {  	[spmem:s2] =	stream.indirect.scatter.add.f32 [tilespmem:s15], [sflag:$0x3], $0x80, s23, s18, $0xb8;
	[tilespmem:$0x1E800] =	vst v63  }
0x46: {  	_ =	swait.ge [sflag:s14], $0x4000  }
0x47: {  	[sflag:s14] =	ssyncset.done $0x0  }
0x48: {  	s30 =	sadd.s32 s24, s11;
	[sflag:s14] =	ssyncadd.s32 $0xFFFFC000  }
0x49: {  	[tilespmem:s15], [sflag:$0x1] =	stream.linear.gather [hbm4b:s30+s3], $0x4000, $0x38;
	[tilespmem:$0x1E800] =	vst v63  }
0x4a: {  	_ =	swait.ge [sflag:s19], $0x4000  }
0x4b: {  	[sflag:s19] =	ssyncset.done $0x0  }
0x4c: {  	s31 =	sadd.s32 $0x80, s23;
	[sflag:s19] =	ssyncadd.s32 $0xFFFFC000  }
0x4d: {  	[spmem:s2] =	stream.indirect.scatter.add.f32 [tilespmem:s16], [sflag:$0x3], $0x80, s31, s18, $0xb8;
	[tilespmem:$0x1E800] =	vst v63  }
0x4e: {  	_ =	swait.ge [sflag:s14], $0x4000  }
0x4f: {  	[sflag:s14] =	ssyncset.done $0x0  }
0x50: {  	[sflag:s14] =	ssyncadd.s32 $0xFFFFC000  }
0x51: {  	[tilespmem:s16], [sflag:$0x2] =	stream.linear.gather [hbm4b:s10+s3], $0x4000, $0x38;
	[tilespmem:$0x1E800] =	vst v63  }
0x52: {  	_ =	swait.ge [sflag:s17], $0x4000  }
0x53: {  	[sflag:s17] =	ssyncset.done $0x0  }
0x54: {  	[sflag:s17] =	ssyncadd.s32 $0xFFFFC000  }
0x55: {  	[spmem:s2] =	stream.indirect.scatter.add.f32 [tilespmem:s15], [sflag:$0x3], $0x80, s20, s18, $0xb8;
	[tilespmem:$0x1E800] =	vst v63  }
0x56: {  	_ =	swait.ge [sflag:s14], $0x4000  }
0x57: {  	[sflag:s14] =	ssyncset.done $0x0  }
0x58: {  	[sflag:s14] =	ssyncadd.s32 $0xFFFFC000  }
0x59: {  	_ =	swait.ge [sflag:s19], $0x4000  }
0x5a: {  	[sflag:s19] =	ssyncset.done $0x0  }
0x5b: {  	[sflag:s19] =	ssyncadd.s32 $0xFFFFC000  }
0x5c: {  	[spmem:s2] =	stream.indirect.scatter.add.f32 [tilespmem:s16], [sflag:$0x3], $0x80, s21, s18, $0xb8;
	[tilespmem:$0x1E800] =	vst v63  }
0x5d: {  	_ =	swait.ge [sflag:s14], $0x4000  }
0x5e: {  	s22 =	sadd.s32 $0x1, s22;
	[sflag:s14] =	ssyncset.done $0x0  }
0x5f: {  	p0 =	sne.s32 s22, s9;
	[sflag:s14] =	ssyncadd.s32 $0xFFFFC000  }
.Ltmp1:
0x60: {  	[bflag:$0x0] =	sbarrier.arrive $0xFFFF;
	(pc) =	sbr.rel @p0 .LBB2_1-.Ltmp1, $4  }
0x61: {  	[hbm:s8], [sflag:s5] =	dma.local [spmem:s13], $0x2800  }
0x62: {  	_ =	swait.ge [sflag:s14], $0x2800  }
0x63: {  	[sflag:s14] =	ssyncset.done $0x0  }
0x64: {  	[sflag:s14] =	ssyncadd.s32 $0xFFFFD800  }
0x65: {  	_ =	sfence.sel $0x180000  }
0x66: {  	[bflag:$0x0] =	sbarrier.arrive $0xFFFF  }
0x67: {  	p0 =	sne.s32 s0, $0x0;
	_ =	strace $0x9000004A  }
0x68: {  	s0 =	sadd.s32 @!p0 $0x100000, s1;
	[bflag:$0x2] =	sbarrier.arrive $0xFFFF  }
0x69: {  	[sflag:s0] =	ssyncadd.tile.s32 @!p0 $0x1;
	_ =	shalt  }
.Lfunc_end2:
_tile_overlayer_lowered:
.L_overlay_start_2:
0x6a: {  	(tag) =	ssettag $0x2  }
0x6b: {  	s0 =	rddreg [dreg:$0x0];
	s2 =	stileid.u32  }
0x6c: {  	s1 =	rddreg [dreg:$0x1];
	p0 =	sne.s32 s2, $0x0  }
0x6d: {  	s3 =	rddreg [dreg:$0x2];
	[bflag:$0x3] =	sbarrier.arrive $0xFFFF;
	s2 =	simm.s32 @!p0 $0x1C03  }
0x6e: {  	[timem:s3], [sflag:s2] =	dma.local @!p0 [hbm:s0], s1  }
0x6f: {  	s0 =	simm.s32 @!p0 $0x3  }
0x70: {  	_ =	swait.ge @!p0 [sflag:s0], s1  }
0x71: {  	s1 =	ssub.s32 @!p0 $0x0, s1;
	[sflag:s0] =	ssyncset.done @!p0 $0x0  }
0x72: {  	[sflag:s0] =	ssyncadd.s32 @!p0 s1  }
0x73: {  	[bflag:$0x3] =	sbarrier.arrive $0xFFFF  }
0x74: {  	_ =	shalt  }

// kernel: kernel.7.cloned.1.call-start
scs
__scs_entry_jumppad:
0x0: {  	(pc) =	sbr.rel $0x88, $3  }
0x1: {  	(tag) =	ssettag $0x0;
	lr =	simm.s32 $0x1  }
0x2: {  	[smem:$0x3F95] =	sst lr;
	_ =	strace $0xD0000000  }
0x3: {  	_ = 	snop  }
0x4: {  	_ = 	snop  }
0x5: {  	_ = 	snop  }
0x6: {  	_ = 	snop  }
0x7: {  	_ = 	snop  }
__scs_overlays_trampoline_lowered:
0x8: {  	[smem:$0x3FA4] =	sst s0  }
0x9: {  	[smem:$0x3FA5] =	sst s1  }
0xa: {  	[smem:$0x3FA6] =	sst s2  }
0xb: {  	[smem:$0x3FA7] =	sst s3  }
0xc: {  	[smem:$0x3FA8] =	sst s4  }
0xd: {  	[smem:$0x3FA9] =	sst s5  }
0xe: {  	[smem:$0x3FAA] =	sst s6  }
0xf: {  	[smem:$0x3FAB] =	sst s7  }
0x10: {  	[smem:$0x3FAC] =	sst s8  }
0x11: {  	[smem:$0x3FAD] =	sst s9;
	s0 =	simm.s32 @!p0 $0x0  }
0x12: {  	s1 =	sld [smem:$0x3F93];
	s0 =	simm.s32 @p0 $0x1  }
0x13: {  	[smem:$0x3FAE] =	sst s0;
	s0 =	simm.s32 @!p1 $0x0  }
0x14: {  	s2 =	sld [smem:$0x3F92];
	s0 =	simm.s32 @p1 $0x1  }
0x15: {  	[smem:$0x3FAF] =	sst s0;
	s0 =	simm.s32 @!p2 $0x0  }
0x16: {  	s3 =	sld [smem:$0x3FDB];
	s0 =	simm.s32 @p2 $0x1  }
0x17: {  	s4 =	simm.s32 $0x1BF5;
	[smem:$0x3FB1] =	sst s0  }
0x18: {  	s0 =	sld [smem:$0x3F94];
	_ =	swait.ge [sflag:s4], $0x0  }
0x19: {  	s7 =	sld [smem:$0x3F95]  }
0x1a: {  	s8 =	sadd.s32 $0xFFFFE003, lr  }
0x1b: {  	s9 =	sadd.s32 $0xFFFFFEF7, lr;
	s5 =	simm.s32 $0xFFFFFFFF;
	p2 =	slt.u32 s8, $0xFFFFF086  }
0x1c: {  	p1 =	slt.u32 s9, $0xF7A;
	s5 =	simm.s32 @!p2 $0x0  }
0x1d: {  	s5 =	simm.s32 @p1 $0x1;
	p0 =	seq.s32 s7, s2  }
0x1e: {  	s7 =	smul.u32 @!p0 $0xF7A, s2;
	p2 =	seq.s32 @!p0 s5, $0x0  }
0x1f: {  	s9 =	smul.u32 $0xF7A, s1;
	s8 =	simm.s32 @!p0 $0x1BF5;
	p2 =	por !p2, p0  }
0x20: {  	[sflag:s8] =	ssyncset.s32 @!p0 $0xFFFFF086;
	s6 =	sadd.s32 @!p0 s3, s7;
	s7 =	simm.s32 @!p0 $0x108  }
0x21: {  	s3 =	sadd.s32 s3, s9;
	s6 =	sadd.s32 @!p0 $0x88, s6;
	s7 =	simm.s32 @p2 $0x1082  }
0x22: {  	[simem:s7], [sflag:s8] =	dma.local @!p0 [hbm:s6], $0xF7A  }
0x23: {  	s9 =	sor.u32 $0xD0000000, s2;
	s6 =	simm.s32 $0x108;
	_ =	swait.ge @!p0 [sflag:s8], $0x0  }
0x24: {  	s3 =	sadd.s32 $0x88, s3;
	s6 =	simm.s32 @!p1 $0x1082;
	[sflag:s4] =	ssyncset.s32 $0xFFFFF086  }
0x25: {  	[simem:s6], [sflag:s4] =	dma.local [hbm:s3], $0xF7A  }
0x26: {  	[smem:$0x3F95] =	sst s1;
	(tag) =	ssettag s2;
	_ =	strace s9  }
0x27: {  	s1 =	sld [smem:$0x3FA5]  }
0x28: {  	s2 =	sld [smem:$0x3FA6]  }
0x29: {  	s4 =	sld [smem:$0x3FA8]  }
0x2a: {  	p0 =	seq.s32 s5, $0x0;
	s5 =	sld [smem:$0x3FA9]  }
0x2b: {  	s6 =	sld [smem:$0x3FAA]  }
0x2c: {  	s7 =	sld [smem:$0x3FAB]  }
0x2d: {  	s3 =	simm.s32 $0x108;
	s8 =	sld [smem:$0x3FAC]  }
0x2e: {  	s3 =	simm.s32 @!p0 $0x1082;
	s9 =	sld [smem:$0x3FAD]  }
0x2f: {  	lr =	sadd.s32 s0, s3;
	s0 =	sld [smem:$0x3FA4]  }
0x30: {  	s3 =	sld [smem:$0x3FA7]  }
0x31: {  	[smem:$0x3FB0] =	sst s10  }
0x32: {  	s10 =	sld [smem:$0x3FAE];
	_ =	sdelay $0x3  }
0x33: {  	p0 =	seq.s32 s10, $0x1;
	s10 =	sld [smem:$0x3FB0];
	_ =	sdelay $0x3  }
0x34: {  	[smem:$0x3FB0] =	sst s10  }
0x35: {  	s10 =	sld [smem:$0x3FAF];
	_ =	sdelay $0x3  }
0x36: {  	p1 =	seq.s32 s10, $0x1;
	s10 =	sld [smem:$0x3FB0];
	_ =	sdelay $0x3  }
0x37: {  	[smem:$0x3FB0] =	sst s10  }
0x38: {  	s10 =	sld [smem:$0x3FB1]  }
0x39: {  	_ = 	snop;
	(pc) =	sbr.ind lr, $3  }
0x3a: {  	_ = 	snop  }
0x3b: {  	_ = 	snop  }
0x3c: {  	p2 =	seq.s32 s10, $0x1;
	s10 =	sld [smem:$0x3FB0]  }
0x3d: {  	_ =	shalt  }
0x3e: {  	_ =	shalt  }
0x3f: {  	_ =	shalt  }
0x40: {  	_ =	shalt  }
0x41: {  	_ =	shalt  }
0x42: {  	_ =	shalt  }
0x43: {  	_ =	shalt  }
0x44: {  	_ =	shalt  }
0x45: {  	_ =	shalt  }
0x46: {  	_ =	shalt  }
0x47: {  	_ =	shalt  }
0x48: {  	_ =	shalt  }
0x49: {  	_ =	shalt  }
0x4a: {  	_ =	shalt  }
0x4b: {  	_ =	shalt  }
0x4c: {  	_ =	shalt  }
0x4d: {  	_ =	shalt  }
0x4e: {  	_ =	shalt  }
0x4f: {  	_ =	shalt  }
0x50: {  	_ =	shalt  }
0x51: {  	_ =	shalt  }
0x52: {  	_ =	shalt  }
0x53: {  	_ =	shalt  }
0x54: {  	_ =	shalt  }
0x55: {  	_ =	shalt  }
0x56: {  	_ =	shalt  }
0x57: {  	_ =	shalt  }
0x58: {  	_ =	shalt  }
0x59: {  	_ =	shalt  }
0x5a: {  	_ =	shalt  }
0x5b: {  	_ =	shalt  }
0x5c: {  	_ =	shalt  }
0x5d: {  	_ =	shalt  }
0x5e: {  	_ =	shalt  }
0x5f: {  	_ =	shalt  }
0x60: {  	_ =	shalt  }
0x61: {  	_ =	shalt  }
0x62: {  	_ =	shalt  }
0x63: {  	_ =	shalt  }
0x64: {  	_ =	shalt  }
0x65: {  	_ =	shalt  }
0x66: {  	_ =	shalt  }
0x67: {  	_ =	shalt  }
0x68: {  	_ =	shalt  }
0x69: {  	_ =	shalt  }
0x6a: {  	_ =	shalt  }
0x6b: {  	_ =	shalt  }
0x6c: {  	_ =	shalt  }
0x6d: {  	_ =	shalt  }
0x6e: {  	_ =	shalt  }
0x6f: {  	_ =	shalt  }
0x70: {  	_ =	shalt  }
0x71: {  	_ =	shalt  }
0x72: {  	_ =	shalt  }
0x73: {  	_ =	shalt  }
0x74: {  	_ =	shalt  }
0x75: {  	_ =	shalt  }
0x76: {  	_ =	shalt  }
0x77: {  	_ =	shalt  }
0x78: {  	_ =	shalt  }
0x79: {  	_ =	shalt  }
0x7a: {  	_ =	shalt  }
0x7b: {  	_ =	shalt  }
0x7c: {  	_ =	shalt  }
0x7d: {  	_ =	shalt  }
0x7e: {  	_ =	shalt  }
0x7f: {  	_ =	shalt  }
0x80: {  	_ =	shalt  }
0x81: {  	_ =	shalt  }
0x82: {  	_ =	shalt  }
0x83: {  	_ =	shalt  }
0x84: {  	_ =	shalt  }
0x85: {  	_ =	shalt  }
0x86: {  	_ =	shalt  }
0x87: {  	_ =	shalt  }
.Lfunc_end0:
.L_simem_size_0:
called_computation_lowered:
.L_overlay_start_0:
0x88: {  	s2 =	sld [smem:$0x3FD9]  }
0x89: {  	s3 =	sld [smem:$0x3FFE];
	_ =	sdelay $0x1  }
0x8a: {  	s1 =	srdreg.scid  }
0x8b: {  	s0 =	sand.u32 $0x1, s1  }
0x8c: {  	s17 =	sshll.u32 s0, $0xA;
	s2 =	sadd.s32 s3, s2  }
0x8d: {  	s2 =	sadd.s32 s2, s17  }
0x8e: {  	[smem:$0x3FBC] =	sst s2  }
0x8f: {  	_ = 	snop  }
0x90: {  	s2 =	sld [smem:$0x3FD0];
	(tm) =	ssettm $0x1  }
0x91: {  	s18 =	sld [smem:$0x3FFB];
	_ =	sdelay $0x3  }
0x92: {  	_ =	strace s18  }
0x93: {  	s3 =	sld [smem:$0x3FFC];
	_ =	sdelay $0x3  }
0x94: {  	_ =	strace s3  }
0x95: {  	s3 =	sld [smem:$0x3FFD];
	_ =	sdelay $0x3  }
0x96: {  	_ =	strace s3  }
0x97: {  	_ =	strace $0x8FFFFFFF  }
0x98: {  	s19 =	sld [smem:$0x3FDB];
	_ =	sdelay $0x1  }
0x99: {  	s4 =	simm.s32 $_scs_section_size  }
0x9a: {  	s5 =	simm.s32 $_size__tile_overlayer_lowered;
	s6 =	simm.s32 $_tile_overlayer_lowered  }
0x9b: {  	s22 =	simm.s32 $0x1BFF;
	s21 =	sshll.u32 s6, $0x1;
	s3 =	sadd.s32 s4, s19  }
0x9c: {  	s7 =	simm.s32 $0x0;
	s20 =	sshll.u32 s5, $0x1;
	s5 =	sadd.s32 s21, s3  }
0x9d: {  	[timem:s7], [sflag:s22] =	dma.local [hbm:s5], s20  }
0x9e: {  	_ =	swait.ge [sflag:s22], s20  }
0x9f: {  	s4 =	ssub.s32 $0x0, s20;
	[sflag:s22] =	ssyncset.done $0x0  }
0xa0: {  	[sflag:s22] =	ssyncadd.s32 s4;
	_ =	sdelay $0x1  }
0xa1: {  	s23 =	simm.s32 $0x1B8B  }
0xa2: {  	_ =	swait.ge [sflag:s23], $0x1  }
0xa3: {  	[sflag:s23] =	ssyncset.done $0x0  }
0xa4: {  	s25 =	simm.s32 $0x1B8E;
	s24 =	sld [smem:$0x3FFE];
	[sflag:s23] =	ssyncadd.s32 $0xFFFFFFFF  }
0xa5: {  	s26 =	simm.s32 $execute0_lowered;
	[smem:$0x3FD2] =	sst s25  }
0xa6: {  	s5 =	sshll.u32 s26, $0x1;
	_ =	strace $0x80000046;
	[dreg:$0x1] =	wrdreg $0xFFFFFFFF  }
0xa7: {  	s28 =	simm.s32 $_size_execute0_lowered;
	s3 =	sadd.s32 s3, s5;
	[dreg:$0x0] =	wrdreg $0x0  }
0xa8: {  	s5 =	sshll.u32 s28, $0x1;
	[dreg:$0x2] =	wrdreg s3  }
0xa9: {  	[dreg:$0x3] =	wrdreg s5  }
0xaa: {  	[dreg:$0x4] =	wrdreg $0xC0  }
0xab: {  	_ =	task [dreg:s7], $0x5FFFF  }
0xac: {  	[dreg:$0x1] =	wrdreg $0xFFFFFFFF  }
0xad: {  	[dreg:$0x0] =	wrdreg $0x60  }
0xae: {  	[dreg:$0x2] =	wrdreg s24  }
0xaf: {  	[dreg:$0x3] =	wrdreg s2  }
0xb0: {  	[dreg:$0x4] =	wrdreg $0x9  }
0xb1: {  	_ =	task.clear_ibuf [dreg:s7], $0x5FFFF;
	_ =	strace $0x90000046  }
0xb2: {  	s29 =	simm.s32 $0x9;
	_ =	strace $0x80000048  }
0xb3: {  	_ =	swait.ge [sflag:s29], $0x1  }
0xb4: {  	[sflag:s29] =	ssyncadd.s32 $0xFFFFFFFF  }
0xb5: {  	_ =	strace $0x90000048  }
0xb6: {  	_ =	sfence  }
0xb7: {  	s30 =	sld [smem:$0x0];
	_ =	sdelay $0x2  }
0xb8: {  	s31 =	sshll.u32 s1, $0xD;
	s1 =	sshrl.u32 s1, $0x2  }
0xb9: {  	s3 =	sand.u32 $0x4000, s31;
	s1 =	sadd.s32 s1, s30  }
0xba: {  	s0 =	sor.u32 s3, s0;
	s1 =	sshll.u32 s1, $0x11  }
0xbb: {  	s0 =	sor.u32 s1, s0  }
0xbc: {  	s0 =	sadd.s32 $0x8F2B, s0  }
0xbd: {  	[sflag:s0] =	ssyncadd.remote.s32 $0x1  }
0xbe: {  	_ =	sfence.sel $0xFFFF  }
0xbf: {  	[dreg:$0x0] =	wrdreg $0xFFFFFFFF;
	(pc) =	sbr.abs _section_cstart, $3  }
0xc0: {  	[dreg:$0x1] =	wrdreg $0xFFFFFFFF  }
0xc1: {  	_ =	task.clear_ibuf [dreg:s7], $0x2FFFF;
	_ =	strace $0x9FFFFFFF  }
0xc2: {  	(tm) =	ssettm $0x7FFFFFFF  }
0xc3: {  	_ =	shalt  }
tec
execute0_lowered:
.L_overlay_start_1:
0x0: {  	(tag) =	ssettag $0x1  }
0x1: {  	s4 =	rddreg [dreg:$0x0];
	s1 =	srdreg.scid  }
0x2: {  	s0 =	stileid.u32;
	s5 =	rddreg [dreg:$0x1]  }
0x3: {  	s2 =	simm.s32 $0x0;
	s12 =	simm.s32 $0x80;
	s13 =	simm.s32 $0x9000  }
0x4: {  	s14 =	simm.s32 $0x1;
	s15 =	simm.s32 $0x2;
	s16 =	simm.s32 $0x4F80  }
0x5: {  	s17 =	simm.s32 $0x0;
	s6 =	sand.u32 $0x1, s1;
	s1 =	rddreg [dreg:$0x2]  }
0x6: {  	s3 =	sshll.u32 s0, $0x1;
	[smem:$0x7FF] =	sst s2;
	s10 =	smul.u32 $0x500000, s0  }
0x7: {  	s3 =	sor.u32 s6, s3;
	s9 =	ssub.s32 $0x2, s6;
	s6 =	smul.u32 $0x280000, s6  }
0x8: {  	s11 =	sadd.s32 $0x5AA00, s4;
	_ =	strace $0x80000047;
	s7 =	smul.u32 $0xA00, s3  }
0x9: {  	s8 =	smul.u32 $0x280000, s3;
	s3 =	sadd.s32 $0xC800, s4;
	s26 =	sshrl.u32 s9, $0x1  }
0xa: {  	s9 =	ssub.s32 s9, s26;
	s29 =	sadd.s32 s6, s10;
	s4 =	sadd.s32 s5, s7  }
0xb: {  	s28 =	sshrl.u32 s8, $0x3;
	s5 =	smax.u32 s9, $0x1;
	s30 =	sshrl.u32 s29, $0x3  }
0xc: {  	s10 =	sor.u32 $0x4000, s29;
	s7 =	sadd.s32 s11, s28;
	s8 =	sadd.s32 s30, s11  }
0xd: {  	s31 =	sshrl.u32 s10, $0x3;
	s10 =	simm.s32 $0x3;
	s6 =	sadd.s32 $0x4F000, s7  }
0xe: {  	s7 =	sadd.s32 $0x4F800, s7;
	s9 =	sadd.s32 s31, s11;
	s11 =	simm.s32 $0x5000  }
.LBB2_1:
0xf: {  	[tilespmem:s2], [sflag:$0x3] =	stream.linear.gather [hbm4b:s4+s2], $0x5000, $0x38;
	[tilespmem:$0xD000] =	vst v63  }
0x10: {  	_ =	swait.ge [sflag:s10], $0x5000  }
0x11: {  	[sflag:s10] =	ssyncset.done $0x0  }
0x12: {  	[sflag:s10] =	ssyncadd.s32 $0xFFFFB000  }
0x13: {  	[tilespmem:s11], [sflag:$0x1] =	stream.indirect.gather [hbm4b:s3+s12], $0x80, s2, s12, $0xb8;
	[tilespmem:$0xD000] =	vst v63  }
0x14: {  	_ = 	snop  }
0x15: {  	[tilespmem:s13], [sflag:$0x2] =	stream.indirect.gather [hbm4b:s3+s12], $0x80, s12, s12, $0xb8;
	[tilespmem:$0xD000] =	vst v63  }
0x16: {  	_ =	swait.ge [sflag:s14], $0x4000  }
0x17: {  	[sflag:s14] =	ssyncset.done $0x0  }
0x18: {  	s18 =	sadd.s32 $0x0, s8;
	[sflag:s14] =	ssyncadd.s32 $0xFFFFC000  }
0x19: {  	[hbm4b:s18+s2] =	stream.linear.scatter [tilespmem:s11], [sflag:$0x3], $0x4000, $0x38;
	[tilespmem:$0xD000] =	vst v63  }
0x1a: {  	_ =	swait.ge [sflag:s10], $0x4000  }
0x1b: {  	[sflag:s10] =	ssyncset.done $0x0  }
0x1c: {  	s30 =	simm.s32 $0x100;
	[sflag:s10] =	ssyncadd.s32 $0xFFFFC000  }
0x1d: {  	[tilespmem:s11], [sflag:$0x1] =	stream.indirect.gather [hbm4b:s3+s12], $0x80, s30, s12, $0xb8;
	[tilespmem:$0xD000] =	vst v63  }
0x1e: {  	_ =	swait.ge [sflag:s15], $0x4000  }
0x1f: {  	[sflag:s15] =	ssyncset.done $0x0  }
0x20: {  	s31 =	sadd.s32 $0x0, s9;
	[sflag:s15] =	ssyncadd.s32 $0xFFFFC000  }
0x21: {  	[hbm4b:s31+s2] =	stream.linear.scatter [tilespmem:s13], [sflag:$0x3], $0x4000, $0x38;
	[tilespmem:$0xD000] =	vst v63  }
0x22: {  	_ =	swait.ge [sflag:s10], $0x4000  }
0x23: {  	s19 =	simm.s32 $0x80;
	s18 =	simm.s32 $0x1000;
	[sflag:s10] =	ssyncset.done $0x0  }
.LBB2_2:
0x24: {  	p0 =	sne.s32 s18, $0x4E000;
	[sflag:s10] =	ssyncadd.s32 $0xFFFFC000;
	s19 =	sadd.s32 $0x100, s19  }
0x25: {  	[tilespmem:s13], [sflag:$0x2] =	stream.indirect.gather [hbm4b:s3+s12], $0x80, s19, s12, $0xb8;
	[tilespmem:$0xD000] =	vst v63  }
0x26: {  	s20 =	smov.u32 s18;
	s18 =	sadd.s32 $0x1000, s18;
	_ =	swait.ge [sflag:s14], $0x4000  }
0x27: {  	[sflag:s14] =	ssyncset.done $0x0  }
0x28: {  	s21 =	sadd.s32 s20, s8;
	[sflag:s14] =	ssyncadd.s32 $0xFFFFC000  }
0x29: {  	[hbm4b:s21+s2] =	stream.linear.scatter [tilespmem:s11], [sflag:$0x3], $0x4000, $0x38;
	[tilespmem:$0xD000] =	vst v63  }
0x2a: {  	_ =	swait.ge [sflag:s10], $0x4000  }
0x2b: {  	[sflag:s10] =	ssyncset.done $0x0  }
0x2c: {  	s21 =	sadd.s32 $0x80, s19;
	[sflag:s10] =	ssyncadd.s32 $0xFFFFC000  }
0x2d: {  	[tilespmem:s11], [sflag:$0x1] =	stream.indirect.gather [hbm4b:s3+s12], $0x80, s21, s12, $0xb8;
	[tilespmem:$0xD000] =	vst v63  }
0x2e: {  	_ =	swait.ge [sflag:s15], $0x4000  }
.Ltmp0:
0x2f: {  	[sflag:s15] =	ssyncset.done $0x0;
	(pc) =	sbr.rel @p0 .LBB2_2-.Ltmp0, $4  }
0x30: {  	s20 =	sadd.s32 s20, s9;
	[sflag:s15] =	ssyncadd.s32 $0xFFFFC000  }
0x31: {  	[hbm4b:s20+s2] =	stream.linear.scatter [tilespmem:s13], [sflag:$0x3], $0x4000, $0x38;
	[tilespmem:$0xD000] =	vst v63  }
0x32: {  	_ =	swait.ge [sflag:s10], $0x4000  }
0x33: {  	[sflag:s10] =	ssyncset.done $0x0  }
0x34: {  	[sflag:s10] =	ssyncadd.s32 $0xFFFFC000  }
0x35: {  	[tilespmem:s13], [sflag:$0x2] =	stream.indirect.gather [hbm4b:s3+s12], $0x80, s16, s12, $0xb8;
	[tilespmem:$0xD000] =	vst v63  }
0x36: {  	_ =	swait.ge [sflag:s14], $0x4000  }
0x37: {  	[sflag:s14] =	ssyncset.done $0x0  }
0x38: {  	[sflag:s14] =	ssyncadd.s32 $0xFFFFC000  }
0x39: {  	[hbm4b:s6+s2] =	stream.linear.scatter [tilespmem:s11], [sflag:$0x3], $0x4000, $0x38;
	[tilespmem:$0xD000] =	vst v63  }
0x3a: {  	_ =	swait.ge [sflag:s10], $0x4000  }
0x3b: {  	[sflag:s10] =	ssyncset.done $0x0  }
0x3c: {  	[sflag:s10] =	ssyncadd.s32 $0xFFFFC000  }
0x3d: {  	s17 =	sadd.s32 $0x1, s17;
	_ =	swait.ge [sflag:s15], $0x4000  }
0x3e: {  	p0 =	sne.s32 s17, s5;
	[sflag:s15] =	ssyncset.done $0x0  }
.Ltmp1:
0x3f: {  	[sflag:s15] =	ssyncadd.s32 $0xFFFFC000;
	(pc) =	sbr.rel @p0 .LBB2_1-.Ltmp1, $4  }
0x40: {  	[hbm4b:s7+s2] =	stream.linear.scatter [tilespmem:s13], [sflag:$0x3], $0x4000, $0x38;
	[tilespmem:$0xD000] =	vst v63  }
0x41: {  	_ =	swait.ge [sflag:s10], $0x4000  }
0x42: {  	[sflag:s10] =	ssyncset.done $0x0  }
0x43: {  	[sflag:s10] =	ssyncadd.s32 $0xFFFFC000  }
0x44: {  	_ =	sfence.sel $0x180000  }
0x45: {  	[bflag:$0x0] =	sbarrier.arrive $0xFFFF  }
0x46: {  	p0 =	sne.s32 s0, $0x0;
	_ =	strace $0x90000047  }
0x47: {  	s0 =	sadd.s32 @!p0 $0x100000, s1;
	[bflag:$0x2] =	sbarrier.arrive $0xFFFF  }
0x48: {  	[sflag:s0] =	ssyncadd.tile.s32 @!p0 $0x1;
	_ =	shalt  }
.Lfunc_end2:
_tile_overlayer_lowered:
.L_overlay_start_2:
0x49: {  	(tag) =	ssettag $0x2  }
0x4a: {  	s0 =	rddreg [dreg:$0x0];
	s2 =	stileid.u32  }
0x4b: {  	s1 =	rddreg [dreg:$0x1];
	p0 =	sne.s32 s2, $0x0  }
0x4c: {  	s3 =	rddreg [dreg:$0x2];
	[bflag:$0x3] =	sbarrier.arrive $0xFFFF;
	s2 =	simm.s32 @!p0 $0x1C03  }
0x4d: {  	[timem:s3], [sflag:s2] =	dma.local @!p0 [hbm:s0], s1  }
0x4e: {  	s0 =	simm.s32 @!p0 $0x3  }
0x4f: {  	_ =	swait.ge @!p0 [sflag:s0], s1  }
0x50: {  	s1 =	ssub.s32 @!p0 $0x0, s1;
	[sflag:s0] =	ssyncset.done @!p0 $0x0  }
0x51: {  	[sflag:s0] =	ssyncadd.s32 @!p0 s1  }
0x52: {  	[bflag:$0x3] =	sbarrier.arrive $0xFFFF  }
0x53: {  	_ =	shalt  }

</sc_bundles>
